<compile_context>
chip_gen: v7x
topology: tpu7x:2x2x1
jax: 0.10.2.dev20260603
libtpu: 0.0.44.dev20260713+nightly
codegen_flags: <defaults>
</compile_context>

<pallas_src>
import functools

import jax
import jax.numpy as jnp
from jax import lax
from jax.experimental import pallas as pl
from jax.experimental.pallas import tpu as pltpu
from jax.experimental.pallas import tpu_sc as plsc

N1 = 50000
NN = 2 * N1
EPAD = 102400
RB1 = 2000
NB1 = NN // RB1
RB3 = 2000
NB3 = N1 // RB3


def _encode_body(x_ref, ea_ref, wn_ref, bn_ref, we_ref, be_ref,
                 wms_ref, wmd_ref, wme_ref, bm_ref, ab_ref, c_ref):
    i = pl.program_id(0)
    h = jnp.maximum(
        jnp.dot(x_ref[...], wn_ref[...], preferred_element_type=jnp.float32)
        + bn_ref[...], 0.0)
    w = jnp.where(i < NB1 // 2, wms_ref[...], wmd_ref[...])
    ab_ref[...] = jnp.dot(h, w, preferred_element_type=jnp.float32)
    e = jnp.maximum(
        jnp.dot(ea_ref[...], we_ref[...], preferred_element_type=jnp.float32)
        + be_ref[...], 0.0)
    c_ref[...] = (jnp.dot(e, wme_ref[...], preferred_element_type=jnp.float32)
                  + bm_ref[...])


def _classifier_body(a_ref, bg_ref, c2_ref, w1_ref, b1_ref, w2_ref, b2_ref,
                     w3_ref, b3_ref, w4_ref, b4_ref, out_ref,
                     t1_s, t2_s, s1, s2, s3):
    p = pl.program_id(0)
    b = pl.program_id(1)
    rows = pl.ds(b * RB3, RB3)

    @pl.when(jnp.logical_and(p == 0, b == 0))
    def _():
        s1[0:2, :] = jnp.zeros((2, 128), jnp.float32)
        s2[0:2, :] = jnp.zeros((2, 64), jnp.float32)
        s3[0:2, :] = jnp.zeros((2, 32), jnp.float32)

    @pl.when(p == 0)
    def _():
        a = a_ref[...]
        g = jnp.maximum(
            jnp.concatenate([a, a], axis=1) + bg_ref[...] + c2_ref[...], 0.0)
        t1 = (jnp.dot(g, w1_ref[...], preferred_element_type=jnp.float32)
              + b1_ref[...])
        t1_s[rows, :] = t1
        s1[0:1, :] += jnp.sum(t1, axis=0, keepdims=True)
        s1[1:2, :] += jnp.sum(t1 * t1, axis=0, keepdims=True)

    @pl.when(jnp.logical_and(p == 0, b == NB3 - 1))
    def _():
        m = s1[0:1, :] / N1
        v = s1[1:2, :] / N1 - m * m
        s1[2:3, :] = m
        s1[3:4, :] = lax.rsqrt(v + 1e-5)

    @pl.when(p == 1)
    def _():
        z1 = jnp.maximum((t1_s[rows, :] - s1[2:3, :]) * s1[3:4, :], 0.0)
        t2 = (jnp.dot(z1, w2_ref[...], preferred_element_type=jnp.float32)
              + b2_ref[...])
        t2_s[rows, :] = t2
        s2[0:1, :] += jnp.sum(t2, axis=0, keepdims=True)
        s2[1:2, :] += jnp.sum(t2 * t2, axis=0, keepdims=True)

    @pl.when(jnp.logical_and(p == 1, b == NB3 - 1))
    def _():
        m = s2[0:1, :] / N1
        v = s2[1:2, :] / N1 - m * m
        s2[2:3, :] = m
        s2[3:4, :] = lax.rsqrt(v + 1e-5)

    @pl.when(p == 2)
    def _():
        z2 = jnp.maximum((t2_s[rows, :] - s2[2:3, :]) * s2[3:4, :], 0.0)
        t3 = (jnp.dot(z2, w3_ref[...], preferred_element_type=jnp.float32)
              + b3_ref[...])
        t1_s[rows, 0:32] = t3
        s3[0:1, :] += jnp.sum(t3, axis=0, keepdims=True)
        s3[1:2, :] += jnp.sum(t3 * t3, axis=0, keepdims=True)

    @pl.when(jnp.logical_and(p == 2, b == NB3 - 1))
    def _():
        m = s3[0:1, :] / N1
        v = s3[1:2, :] / N1 - m * m
        s3[2:3, :] = m
        s3[3:4, :] = lax.rsqrt(v + 1e-5)

    @pl.when(p == 3)
    def _():
        z3 = jnp.maximum((t1_s[rows, 0:32] - s3[2:3, :]) * s3[3:4, :], 0.0)
        out_ref[...] = (
            jnp.dot(z3, w4_ref[...], preferred_element_type=jnp.float32)
            + b4_ref[...])


def _full(shape):
    return pl.BlockSpec(shape, lambda *_: tuple(0 for _ in shape))


def _encode(x, edge_attr, wn, bn2, we, be2, wms, wmd, wme, bm2):
    return pl.pallas_call(
        _encode_body,
        grid=(NB1,),
        in_specs=[
            pl.BlockSpec((RB1, 209), lambda i: (i, 0)),
            pl.BlockSpec((RB1, 6), lambda i: (i, 0)),
            _full((209, 64)),
            _full((1, 64)),
            _full((6, 16)),
            _full((1, 16)),
            _full((64, 16)),
            _full((64, 16)),
            _full((16, 16)),
            _full((1, 16)),
        ],
        out_specs=[
            pl.BlockSpec((RB1, 16), lambda i: (i, 0)),
            pl.BlockSpec((RB1, 16), lambda i: (i, 0)),
        ],
        out_shape=[
            jax.ShapeDtypeStruct((NN, 16), jnp.float32),
            jax.ShapeDtypeStruct((NN, 16), jnp.float32),
        ],
    )(x, edge_attr, wn, bn2, we, be2, wms, wmd, wme, bm2)


def _sc_gather(table, idx_flat):
    info = plsc.get_sparse_core_info()
    nc, ns = info.num_cores, info.num_subcores
    nw = nc * ns
    ew = EPAD // nw
    kch = ew // 128
    idx3d = idx_flat.reshape(nw, kch, 128)

    mesh = plsc.VectorSubcoreMesh(core_axis_name="c", subcore_axis_name="s")

    @functools.partial(
        pl.kernel,
        mesh=mesh,
        compiler_params=pltpu.CompilerParams(use_tc_tiling_on_sc=False),
        out_type=jax.ShapeDtypeStruct((EPAD, 16), jnp.float32),
        scratch_types=[
            pltpu.VMEM((kch, 128), jnp.int32),
            pltpu.VMEM((ew, 16), jnp.float32),
            pltpu.SemaphoreType.DMA,
        ],
    )
    def gather(table_hbm, idx_hbm, out_hbm, idx_v, rows_v, sem):
        wid = lax.axis_index("s") * nc + lax.axis_index("c")
        pltpu.sync_copy(idx_hbm.at[wid], idx_v)
        copies = [
            pltpu.async_copy(table_hbm.at[idx_v.at[k]],
                             rows_v.at[pl.ds(k * 128, 128)], sem)
            for k in range(kch)
        ]
        for c in copies:
            c.wait()
        pltpu.sync_copy(rows_v, out_hbm.at[pl.ds(wid * ew, ew)])

    return gather(table, idx3d)


def _classify(ab, bg2, c2, W1, b1r, W2, b2r, W3, b3r, W4, b4r):
    return pl.pallas_call(
        _classifier_body,
        grid=(4, NB3),
        in_specs=[
            pl.BlockSpec((RB3, 16), lambda p, b: (jnp.where(p == 0, b, 0), 0)),
            pl.BlockSpec((RB3, 32), lambda p, b: (jnp.where(p == 0, b, 0), 0)),
            pl.BlockSpec((RB3, 32), lambda p, b: (jnp.where(p == 0, b, 0), 0)),
            _full((32, 128)),
            _full((1, 128)),
            _full((128, 64)),
            _full((1, 64)),
            _full((64, 32)),
            _full((1, 32)),
            _full((32, 3)),
            _full((1, 3)),
        ],
        out_specs=pl.BlockSpec((RB3, 3), lambda p, b: (b, 0)),
        out_shape=jax.ShapeDtypeStruct((N1, 3), jnp.float32),
        scratch_shapes=[
            pltpu.VMEM((N1, 128), jnp.float32),
            pltpu.VMEM((N1, 64), jnp.float32),
            pltpu.VMEM((8, 128), jnp.float32),
            pltpu.VMEM((8, 64), jnp.float32),
            pltpu.VMEM((8, 32), jnp.float32),
        ],
        compiler_params=pltpu.CompilerParams(
            vmem_limit_bytes=63 * 1024 * 1024),
    )(ab, bg2, c2, W1, b1r, W2, b2r, W3, b3r, W4, b4r)


def kernel(x, edge_index, edge_attr, Wn, bn, We, be, Wm, bm,
           W1, b1, W2, b2, W3, b3, W4, b4):
    dst = edge_index[1]
    idx_flat = jnp.zeros((EPAD,), jnp.int32).at[:NN].set(dst)

    ab, c = _encode(
        x, edge_attr, Wn, bn.reshape(1, 64), We, be.reshape(1, 16),
        Wm[:64], Wm[64:128], Wm[128:144], bm.reshape(1, 16))

    bg = _sc_gather(ab, idx_flat)
    bg2 = bg.reshape(EPAD // 2, 32)
    c2 = c.reshape(N1, 32)

    return _classify(
        ab, bg2, c2, W1, b1.reshape(1, 128), W2, b2.reshape(1, 64),
        W3, b3.reshape(1, 32), W4, b4.reshape(1, 3))

# --- scband reference (transcript-rebuilt; emitter-appended) ---
"""Pipeline reference for scband-stitch-model-44418551775296 (READ-ONLY COPY).

The authoritative reference and input builder live on the scoring server;
editing this copy changes nothing except your own understanding.
"""

import jax, jax.numpy as jnp
import numpy as np

N1 = 50000
TOPN = 2
D_NODE = 209
D_EDGE = 6
D_H = 64
D_EOUT = 16


def setup_inputs(seed: int = 0) -> dict:
    key = jax.random.key(seed)
    ks = jax.random.split(key, 20)
    x = jax.random.normal(ks[0], (2 * N1, D_NODE), dtype=jnp.float32)
    # edge_index built the way StitchModel.preprocess builds it: each source node i in [0, N1)
    # contributes exactly topn=2 consecutive edges; dst indices live in the second slice [N1, 2*N1)
    src = jnp.repeat(jnp.arange(N1, dtype=jnp.int32), TOPN)
    dst = N1 + jax.random.randint(ks[1], (N1 * TOPN,), 0, N1, dtype=jnp.int32)
    edge_index = jnp.stack([src, dst]).astype(jnp.int32)
    edge_attr = jax.random.normal(ks[2], (N1 * TOPN, D_EDGE), dtype=jnp.float32)
    # TSS graph-net params (node encoder, edge encoder, edge update MLP -> edge_out_dim=16)
    Wn = jax.random.normal(ks[3], (D_NODE, D_H), dtype=jnp.float32) * 0.05
    bn = jnp.zeros((D_H,), dtype=jnp.float32)
    We = jax.random.normal(ks[4], (D_EDGE, D_EOUT), dtype=jnp.float32) * 0.05
    be = jnp.zeros((D_EOUT,), dtype=jnp.float32)
    Wm = jax.random.normal(ks[5], (2 * D_H + D_EOUT, D_EOUT), dtype=jnp.float32) * 0.05
    bm = jnp.zeros((D_EOUT,), dtype=jnp.float32)
    # classifier MLP: input_dim = edge_out_dim * topn = 32, fc_dims=[128, 64, 32, 3]
    W1 = jax.random.normal(ks[6], (D_EOUT * TOPN, 128), dtype=jnp.float32) * 0.05
    b1 = jnp.zeros((128,), dtype=jnp.float32)
    W2 = jax.random.normal(ks[7], (128, 64), dtype=jnp.float32) * 0.05
    b2 = jnp.zeros((64,), dtype=jnp.float32)
    W3 = jax.random.normal(ks[8], (64, 32), dtype=jnp.float32) * 0.05
    b3 = jnp.zeros((32,), dtype=jnp.float32)
    W4 = jax.random.normal(ks[9], (32, TOPN + 1), dtype=jnp.float32) * 0.05
    b4 = jnp.zeros((TOPN + 1,), dtype=jnp.float32)
    return {"x": x, "edge_index": edge_index, "edge_attr": edge_attr,
            "Wn": Wn, "bn": bn, "We": We, "be": be, "Wm": Wm, "bm": bm,
            "W1": W1, "b1": b1, "W2": W2, "b2": b2, "W3": W3, "b3": b3,
            "W4": W4, "b4": b4}


def _bn_relu(z):
    m = z.mean(axis=0)
    v = z.var(axis=0)
    return jax.nn.relu((z - m) / jnp.sqrt(v + 1e-5))


def reference(x, edge_index, edge_attr, Wn, bn, We, be, Wm, bm,
              W1, b1, W2, b2, W3, b3, W4, b4):
    # TSS message passing: encode nodes + edges, gather endpoints, update edge features
    h = jax.nn.relu(x @ Wn + bn)
    e = jax.nn.relu(edge_attr @ We + be)
    src = edge_index[0]
    dst = edge_index[1]
    hs = jnp.take(h, src, axis=0)
    hd = jnp.take(h, dst, axis=0)
    ef = jax.nn.relu(jnp.concatenate([hs, hd, e], axis=-1) @ Wm + bm)  # [E, edge_out_dim]
    # x = torch.stack([x[edge_index[0] == nid].reshape(-1) for nid in node0])
    # edges are grouped consecutively per source node (topn each), so this is a reshape
    n_node0 = src.shape[0] // TOPN
    g = ef.reshape(n_node0, TOPN * D_EOUT)
    # classifier MLP with batchnorm (batch statistics); dropout inactive at eval
    z = _bn_relu(g @ W1 + b1)
    z = _bn_relu(z @ W2 + b2)
    z = _bn_relu(z @ W3 + b3)
    out = z @ W4 + b4
    return out

if __name__ == "__main__":
    import jax
    _d = setup_inputs()
    print(jax.jit(kernel)(*tuple(_d.values())))

</pallas_src>

<mosaic_0001>
#map = affine_map<(d0, d1) -> (0, 0)>
#map1 = affine_map<(d0, d1) -> (0, 0, 0)>
module attributes {stable_mosaic.version = 14 : i64} {
  func.func @gather(%arg0: i32, %arg1: i32, %arg2: memref<100000x16xf32, #tpu.memory_space<hbm>>, %arg3: memref<32x25x128xi32, #tpu.memory_space<hbm>>, %arg4: memref<102400x16xf32, #tpu.memory_space<hbm>>, %arg5: memref<25x128xi32, #tpu.memory_space<vmem>>, %arg6: memref<3200x16xf32, #tpu.memory_space<vmem>>, %arg7: memref<!tpu.dma_semaphore, #tpu.memory_space<semaphore_mem>>) attributes {dimension_semantics = [#tpu.dimension_semantics<core_parallel>, #tpu.dimension_semantics<subcore_parallel>], iteration_bounds = array<i64: 2, 16>, scalar_prefetch = 0 : i64, scratch_operands = 3 : i64, tpu.core_type = #tpu.core_type<sc_vector_subcore>, window_params = [{transform_indices = #map}, {transform_indices = #map1}, {transform_indices = #map}]} {
    %mul3A = arith.constant 2 : i32
    %mul3A_0 = arith.muli %arg1, %mul3A : i32
    %add3A = arith.addi %mul3A_0, %arg0 : i32
    "tpu.region"() ({
      %run_scoped3A = tpu.sem_alloc : memref<!tpu.dma_semaphore, #tpu.memory_space<semaphore_mem>>
      %dma_start3A_501 = arith.constant 0 : i32
      %dma_start3A_502 = arith.constant 0 : i32
      %dma_start3A_503 = tpu.memref_slice %arg3[%add3A, %dma_start3A_501, %dma_start3A_502] : memref<32x25x128xi32, #tpu.memory_space<hbm>> -> memref<1x25x128xi32, #tpu.memory_space<hbm>>
      %dma_start3A_504 = tpu.memref_squeeze %dma_start3A_503 : memref<1x25x128xi32, #tpu.memory_space<hbm>> -> memref<25x128xi32, #tpu.memory_space<hbm>>
      %dma_start3A_505 = arith.constant 0 : i32
      %dma_start3A_506 = arith.constant 0 : i32
      %dma_start3A_507 = tpu.memref_slice %arg3[%add3A, %dma_start3A_505, %dma_start3A_506] : memref<32x25x128xi32, #tpu.memory_space<hbm>> -> memref<1x25x128xi32, #tpu.memory_space<hbm>>
      %dma_start3A_508 = tpu.memref_squeeze %dma_start3A_507 : memref<1x25x128xi32, #tpu.memory_space<hbm>> -> memref<25x128xi32, #tpu.memory_space<hbm>>
      tpu.enqueue_dma source(%dma_start3A_508 : memref<25x128xi32, #tpu.memory_space<hbm>>) target(%arg5 : memref<25x128xi32, #tpu.memory_space<vmem>>) target_semaphore(%run_scoped3A : memref<!tpu.dma_semaphore, #tpu.memory_space<semaphore_mem>>)
      %dma_wait3A_509 = arith.constant 0 : i32
      %dma_wait3A_510 = arith.constant 0 : i32
      %dma_wait3A_511 = tpu.memref_slice %arg3[%add3A, %dma_wait3A_509, %dma_wait3A_510] : memref<32x25x128xi32, #tpu.memory_space<hbm>> -> memref<1x25x128xi32, #tpu.memory_space<hbm>>
      %dma_wait3A_512 = tpu.memref_squeeze %dma_wait3A_511 : memref<1x25x128xi32, #tpu.memory_space<hbm>> -> memref<25x128xi32, #tpu.memory_space<hbm>>
      %dma_wait3A_513 = arith.constant 0 : i32
      %dma_wait3A_514 = arith.constant 0 : i32
      %dma_wait3A_515 = tpu.memref_slice %arg3[%add3A, %dma_wait3A_513, %dma_wait3A_514] : memref<32x25x128xi32, #tpu.memory_space<hbm>> -> memref<1x25x128xi32, #tpu.memory_space<hbm>>
      %dma_wait3A_516 = tpu.memref_squeeze %dma_wait3A_515 : memref<1x25x128xi32, #tpu.memory_space<hbm>> -> memref<25x128xi32, #tpu.memory_space<hbm>>
      tpu.wait_dma2 semaphore(%run_scoped3A : memref<!tpu.dma_semaphore, #tpu.memory_space<semaphore_mem>>) src(%dma_wait3A_516 : memref<25x128xi32, #tpu.memory_space<hbm>>) dst(%arg5 : memref<25x128xi32, #tpu.memory_space<vmem>>)
      tpu.yield
    }) : () -> ()
    %dma_start3A = arith.constant 0 : i32
    %dma_start3A_1 = arith.constant 0 : i32
    %dma_start3A_2 = arith.constant 0 : i32
    %dma_start3A_3 = tpu.memref_slice %arg6[%dma_start3A_1, %dma_start3A_2] : memref<3200x16xf32, #tpu.memory_space<vmem>> -> memref<128x16xf32, #tpu.memory_space<vmem>>
    %dma_start3A_4 = arith.constant 0 : i32
    %dma_start3A_5 = tpu.memref_slice %arg5[%dma_start3A, %dma_start3A_4] : memref<25x128xi32, #tpu.memory_space<vmem>> -> memref<1x128xi32, #tpu.memory_space<vmem>>
    %dma_start3A_6 = tpu.memref_squeeze %dma_start3A_5 : memref<1x128xi32, #tpu.memory_space<vmem>> -> memref<128xi32, #tpu.memory_space<vmem>>
    %dma_start3A_7 = arith.constant 0 : i32
    %dma_start3A_8 = arith.constant 0 : i32
    %dma_start3A_9 = tpu.memref_slice %arg2[%dma_start3A_7, %dma_start3A_8] : memref<100000x16xf32, #tpu.memory_space<hbm>> -> memref<100000x16xf32, #tpu.memory_space<hbm>>
    tpu.enqueue_indirect_dma source(%dma_start3A_9 : memref<100000x16xf32, #tpu.memory_space<hbm>>) target(%dma_start3A_3 : memref<128x16xf32, #tpu.memory_space<vmem>>) offsets(%dma_start3A_6 : memref<128xi32, #tpu.memory_space<vmem>>) semaphore(%arg7 : memref<!tpu.dma_semaphore, #tpu.memory_space<semaphore_mem>>)
    %dma_start3A_10 = arith.constant 1 : i32
    %dma_start3A_11 = arith.constant 128 : i32
    %dma_start3A_12 = arith.constant 0 : i32
    %dma_start3A_13 = tpu.memref_slice %arg6[%dma_start3A_11, %dma_start3A_12] : memref<3200x16xf32, #tpu.memory_space<vmem>> -> memref<128x16xf32, #tpu.memory_space<vmem>>
    %dma_start3A_14 = arith.constant 0 : i32
    %dma_start3A_15 = tpu.memref_slice %arg5[%dma_start3A_10, %dma_start3A_14] : memref<25x128xi32, #tpu.memory_space<vmem>> -> memref<1x128xi32, #tpu.memory_space<vmem>>
    %dma_start3A_16 = tpu.memref_squeeze %dma_start3A_15 : memref<1x128xi32, #tpu.memory_space<vmem>> -> memref<128xi32, #tpu.memory_space<vmem>>
    %dma_start3A_17 = arith.constant 0 : i32
    %dma_start3A_18 = arith.constant 0 : i32
    %dma_start3A_19 = tpu.memref_slice %arg2[%dma_start3A_17, %dma_start3A_18] : memref<100000x16xf32, #tpu.memory_space<hbm>> -> memref<100000x16xf32, #tpu.memory_space<hbm>>
    tpu.enqueue_indirect_dma source(%dma_start3A_19 : memref<100000x16xf32, #tpu.memory_space<hbm>>) target(%dma_start3A_13 : memref<128x16xf32, #tpu.memory_space<vmem>>) offsets(%dma_start3A_16 : memref<128xi32, #tpu.memory_space<vmem>>) semaphore(%arg7 : memref<!tpu.dma_semaphore, #tpu.memory_space<semaphore_mem>>)
    %dma_start3A_20 = arith.constant 2 : i32
    %dma_start3A_21 = arith.constant 256 : i32
    %dma_start3A_22 = arith.constant 0 : i32
    %dma_start3A_23 = tpu.memref_slice %arg6[%dma_start3A_21, %dma_start3A_22] : memref<3200x16xf32, #tpu.memory_space<vmem>> -> memref<128x16xf32, #tpu.memory_space<vmem>>
    %dma_start3A_24 = arith.constant 0 : i32
    %dma_start3A_25 = tpu.memref_slice %arg5[%dma_start3A_20, %dma_start3A_24] : memref<25x128xi32, #tpu.memory_space<vmem>> -> memref<1x128xi32, #tpu.memory_space<vmem>>
    %dma_start3A_26 = tpu.memref_squeeze %dma_start3A_25 : memref<1x128xi32, #tpu.memory_space<vmem>> -> memref<128xi32, #tpu.memory_space<vmem>>
    %dma_start3A_27 = arith.constant 0 : i32
    %dma_start3A_28 = arith.constant 0 : i32
    %dma_start3A_29 = tpu.memref_slice %arg2[%dma_start3A_27, %dma_start3A_28] : memref<100000x16xf32, #tpu.memory_space<hbm>> -> memref<100000x16xf32, #tpu.memory_space<hbm>>
    tpu.enqueue_indirect_dma source(%dma_start3A_29 : memref<100000x16xf32, #tpu.memory_space<hbm>>) target(%dma_start3A_23 : memref<128x16xf32, #tpu.memory_space<vmem>>) offsets(%dma_start3A_26 : memref<128xi32, #tpu.memory_space<vmem>>) semaphore(%arg7 : memref<!tpu.dma_semaphore, #tpu.memory_space<semaphore_mem>>)
    %dma_start3A_30 = arith.constant 3 : i32
    %dma_start3A_31 = arith.constant 384 : i32
    %dma_start3A_32 = arith.constant 0 : i32
    %dma_start3A_33 = tpu.memref_slice %arg6[%dma_start3A_31, %dma_start3A_32] : memref<3200x16xf32, #tpu.memory_space<vmem>> -> memref<128x16xf32, #tpu.memory_space<vmem>>
    %dma_start3A_34 = arith.constant 0 : i32
    %dma_start3A_35 = tpu.memref_slice %arg5[%dma_start3A_30, %dma_start3A_34] : memref<25x128xi32, #tpu.memory_space<vmem>> -> memref<1x128xi32, #tpu.memory_space<vmem>>
    %dma_start3A_36 = tpu.memref_squeeze %dma_start3A_35 : memref<1x128xi32, #tpu.memory_space<vmem>> -> memref<128xi32, #tpu.memory_space<vmem>>
    %dma_start3A_37 = arith.constant 0 : i32
    %dma_start3A_38 = arith.constant 0 : i32
    %dma_start3A_39 = tpu.memref_slice %arg2[%dma_start3A_37, %dma_start3A_38] : memref<100000x16xf32, #tpu.memory_space<hbm>> -> memref<100000x16xf32, #tpu.memory_space<hbm>>
    tpu.enqueue_indirect_dma source(%dma_start3A_39 : memref<100000x16xf32, #tpu.memory_space<hbm>>) target(%dma_start3A_33 : memref<128x16xf32, #tpu.memory_space<vmem>>) offsets(%dma_start3A_36 : memref<128xi32, #tpu.memory_space<vmem>>) semaphore(%arg7 : memref<!tpu.dma_semaphore, #tpu.memory_space<semaphore_mem>>)
    %dma_start3A_40 = arith.constant 4 : i32
    %dma_start3A_41 = arith.constant 512 : i32
    %dma_start3A_42 = arith.constant 0 : i32
    %dma_start3A_43 = tpu.memref_slice %arg6[%dma_start3A_41, %dma_start3A_42] : memref<3200x16xf32, #tpu.memory_space<vmem>> -> memref<128x16xf32, #tpu.memory_space<vmem>>
    %dma_start3A_44 = arith.constant 0 : i32
    %dma_start3A_45 = tpu.memref_slice %arg5[%dma_start3A_40, %dma_start3A_44] : memref<25x128xi32, #tpu.memory_space<vmem>> -> memref<1x128xi32, #tpu.memory_space<vmem>>
    %dma_start3A_46 = tpu.memref_squeeze %dma_start3A_45 : memref<1x128xi32, #tpu.memory_space<vmem>> -> memref<128xi32, #tpu.memory_space<vmem>>
    %dma_start3A_47 = arith.constant 0 : i32
    %dma_start3A_48 = arith.constant 0 : i32
    %dma_start3A_49 = tpu.memref_slice %arg2[%dma_start3A_47, %dma_start3A_48] : memref<100000x16xf32, #tpu.memory_space<hbm>> -> memref<100000x16xf32, #tpu.memory_space<hbm>>
    tpu.enqueue_indirect_dma source(%dma_start3A_49 : memref<100000x16xf32, #tpu.memory_space<hbm>>) target(%dma_start3A_43 : memref<128x16xf32, #tpu.memory_space<vmem>>) offsets(%dma_start3A_46 : memref<128xi32, #tpu.memory_space<vmem>>) semaphore(%arg7 : memref<!tpu.dma_semaphore, #tpu.memory_space<semaphore_mem>>)
    %dma_start3A_50 = arith.constant 5 : i32
    %dma_start3A_51 = arith.constant 640 : i32
    %dma_start3A_52 = arith.constant 0 : i32
    %dma_start3A_53 = tpu.memref_slice %arg6[%dma_start3A_51, %dma_start3A_52] : memref<3200x16xf32, #tpu.memory_space<vmem>> -> memref<128x16xf32, #tpu.memory_space<vmem>>
    %dma_start3A_54 = arith.constant 0 : i32
    %dma_start3A_55 = tpu.memref_slice %arg5[%dma_start3A_50, %dma_start3A_54] : memref<25x128xi32, #tpu.memory_space<vmem>> -> memref<1x128xi32, #tpu.memory_space<vmem>>
    %dma_start3A_56 = tpu.memref_squeeze %dma_start3A_55 : memref<1x128xi32, #tpu.memory_space<vmem>> -> memref<128xi32, #tpu.memory_space<vmem>>
    %dma_start3A_57 = arith.constant 0 : i32
    %dma_start3A_58 = arith.constant 0 : i32
    %dma_start3A_59 = tpu.memref_slice %arg2[%dma_start3A_57, %dma_start3A_58] : memref<100000x16xf32, #tpu.memory_space<hbm>> -> memref<100000x16xf32, #tpu.memory_space<hbm>>
    tpu.enqueue_indirect_dma source(%dma_start3A_59 : memref<100000x16xf32, #tpu.memory_space<hbm>>) target(%dma_start3A_53 : memref<128x16xf32, #tpu.memory_space<vmem>>) offsets(%dma_start3A_56 : memref<128xi32, #tpu.memory_space<vmem>>) semaphore(%arg7 : memref<!tpu.dma_semaphore, #tpu.memory_space<semaphore_mem>>)
    %dma_start3A_60 = arith.constant 6 : i32
    %dma_start3A_61 = arith.constant 768 : i32
    %dma_start3A_62 = arith.constant 0 : i32
    %dma_start3A_63 = tpu.memref_slice %arg6[%dma_start3A_61, %dma_start3A_62] : memref<3200x16xf32, #tpu.memory_space<vmem>> -> memref<128x16xf32, #tpu.memory_space<vmem>>
    %dma_start3A_64 = arith.constant 0 : i32
    %dma_start3A_65 = tpu.memref_slice %arg5[%dma_start3A_60, %dma_start3A_64] : memref<25x128xi32, #tpu.memory_space<vmem>> -> memref<1x128xi32, #tpu.memory_space<vmem>>
    %dma_start3A_66 = tpu.memref_squeeze %dma_start3A_65 : memref<1x128xi32, #tpu.memory_space<vmem>> -> memref<128xi32, #tpu.memory_space<vmem>>
    %dma_start3A_67 = arith.constant 0 : i32
    %dma_start3A_68 = arith.constant 0 : i32
    %dma_start3A_69 = tpu.memref_slice %arg2[%dma_start3A_67, %dma_start3A_68] : memref<100000x16xf32, #tpu.memory_space<hbm>> -> memref<100000x16xf32, #tpu.memory_space<hbm>>
    tpu.enqueue_indirect_dma source(%dma_start3A_69 : memref<100000x16xf32, #tpu.memory_space<hbm>>) target(%dma_start3A_63 : memref<128x16xf32, #tpu.memory_space<vmem>>) offsets(%dma_start3A_66 : memref<128xi32, #tpu.memory_space<vmem>>) semaphore(%arg7 : memref<!tpu.dma_semaphore, #tpu.memory_space<semaphore_mem>>)
    %dma_start3A_70 = arith.constant 7 : i32
    %dma_start3A_71 = arith.constant 896 : i32
    %dma_start3A_72 = arith.constant 0 : i32
    %dma_start3A_73 = tpu.memref_slice %arg6[%dma_start3A_71, %dma_start3A_72] : memref<3200x16xf32, #tpu.memory_space<vmem>> -> memref<128x16xf32, #tpu.memory_space<vmem>>
    %dma_start3A_74 = arith.constant 0 : i32
    %dma_start3A_75 = tpu.memref_slice %arg5[%dma_start3A_70, %dma_start3A_74] : memref<25x128xi32, #tpu.memory_space<vmem>> -> memref<1x128xi32, #tpu.memory_space<vmem>>
    %dma_start3A_76 = tpu.memref_squeeze %dma_start3A_75 : memref<1x128xi32, #tpu.memory_space<vmem>> -> memref<128xi32, #tpu.memory_space<vmem>>
    %dma_start3A_77 = arith.constant 0 : i32
    %dma_start3A_78 = arith.constant 0 : i32
    %dma_start3A_79 = tpu.memref_slice %arg2[%dma_start3A_77, %dma_start3A_78] : memref<100000x16xf32, #tpu.memory_space<hbm>> -> memref<100000x16xf32, #tpu.memory_space<hbm>>
    tpu.enqueue_indirect_dma source(%dma_start3A_79 : memref<100000x16xf32, #tpu.memory_space<hbm>>) target(%dma_start3A_73 : memref<128x16xf32, #tpu.memory_space<vmem>>) offsets(%dma_start3A_76 : memref<128xi32, #tpu.memory_space<vmem>>) semaphore(%arg7 : memref<!tpu.dma_semaphore, #tpu.memory_space<semaphore_mem>>)
    %dma_start3A_80 = arith.constant 8 : i32
    %dma_start3A_81 = arith.constant 1024 : i32
    %dma_start3A_82 = arith.constant 0 : i32
    %dma_start3A_83 = tpu.memref_slice %arg6[%dma_start3A_81, %dma_start3A_82] : memref<3200x16xf32, #tpu.memory_space<vmem>> -> memref<128x16xf32, #tpu.memory_space<vmem>>
    %dma_start3A_84 = arith.constant 0 : i32
    %dma_start3A_85 = tpu.memref_slice %arg5[%dma_start3A_80, %dma_start3A_84] : memref<25x128xi32, #tpu.memory_space<vmem>> -> memref<1x128xi32, #tpu.memory_space<vmem>>
    %dma_start3A_86 = tpu.memref_squeeze %dma_start3A_85 : memref<1x128xi32, #tpu.memory_space<vmem>> -> memref<128xi32, #tpu.memory_space<vmem>>
    %dma_start3A_87 = arith.constant 0 : i32
    %dma_start3A_88 = arith.constant 0 : i32
    %dma_start3A_89 = tpu.memref_slice %arg2[%dma_start3A_87, %dma_start3A_88] : memref<100000x16xf32, #tpu.memory_space<hbm>> -> memref<100000x16xf32, #tpu.memory_space<hbm>>
    tpu.enqueue_indirect_dma source(%dma_start3A_89 : memref<100000x16xf32, #tpu.memory_space<hbm>>) target(%dma_start3A_83 : memref<128x16xf32, #tpu.memory_space<vmem>>) offsets(%dma_start3A_86 : memref<128xi32, #tpu.memory_space<vmem>>) semaphore(%arg7 : memref<!tpu.dma_semaphore, #tpu.memory_space<semaphore_mem>>)
    %dma_start3A_90 = arith.constant 9 : i32
    %dma_start3A_91 = arith.constant 1152 : i32
    %dma_start3A_92 = arith.constant 0 : i32
    %dma_start3A_93 = tpu.memref_slice %arg6[%dma_start3A_91, %dma_start3A_92] : memref<3200x16xf32, #tpu.memory_space<vmem>> -> memref<128x16xf32, #tpu.memory_space<vmem>>
    %dma_start3A_94 = arith.constant 0 : i32
    %dma_start3A_95 = tpu.memref_slice %arg5[%dma_start3A_90, %dma_start3A_94] : memref<25x128xi32, #tpu.memory_space<vmem>> -> memref<1x128xi32, #tpu.memory_space<vmem>>
    %dma_start3A_96 = tpu.memref_squeeze %dma_start3A_95 : memref<1x128xi32, #tpu.memory_space<vmem>> -> memref<128xi32, #tpu.memory_space<vmem>>
    %dma_start3A_97 = arith.constant 0 : i32
    %dma_start3A_98 = arith.constant 0 : i32
    %dma_start3A_99 = tpu.memref_slice %arg2[%dma_start3A_97, %dma_start3A_98] : memref<100000x16xf32, #tpu.memory_space<hbm>> -> memref<100000x16xf32, #tpu.memory_space<hbm>>
    tpu.enqueue_indirect_dma source(%dma_start3A_99 : memref<100000x16xf32, #tpu.memory_space<hbm>>) target(%dma_start3A_93 : memref<128x16xf32, #tpu.memory_space<vmem>>) offsets(%dma_start3A_96 : memref<128xi32, #tpu.memory_space<vmem>>) semaphore(%arg7 : memref<!tpu.dma_semaphore, #tpu.memory_space<semaphore_mem>>)
    %dma_start3A_100 = arith.constant 10 : i32
    %dma_start3A_101 = arith.constant 1280 : i32
    %dma_start3A_102 = arith.constant 0 : i32
    %dma_start3A_103 = tpu.memref_slice %arg6[%dma_start3A_101, %dma_start3A_102] : memref<3200x16xf32, #tpu.memory_space<vmem>> -> memref<128x16xf32, #tpu.memory_space<vmem>>
    %dma_start3A_104 = arith.constant 0 : i32
    %dma_start3A_105 = tpu.memref_slice %arg5[%dma_start3A_100, %dma_start3A_104] : memref<25x128xi32, #tpu.memory_space<vmem>> -> memref<1x128xi32, #tpu.memory_space<vmem>>
    %dma_start3A_106 = tpu.memref_squeeze %dma_start3A_105 : memref<1x128xi32, #tpu.memory_space<vmem>> -> memref<128xi32, #tpu.memory_space<vmem>>
    %dma_start3A_107 = arith.constant 0 : i32
    %dma_start3A_108 = arith.constant 0 : i32
    %dma_start3A_109 = tpu.memref_slice %arg2[%dma_start3A_107, %dma_start3A_108] : memref<100000x16xf32, #tpu.memory_space<hbm>> -> memref<100000x16xf32, #tpu.memory_space<hbm>>
    tpu.enqueue_indirect_dma source(%dma_start3A_109 : memref<100000x16xf32, #tpu.memory_space<hbm>>) target(%dma_start3A_103 : memref<128x16xf32, #tpu.memory_space<vmem>>) offsets(%dma_start3A_106 : memref<128xi32, #tpu.memory_space<vmem>>) semaphore(%arg7 : memref<!tpu.dma_semaphore, #tpu.memory_space<semaphore_mem>>)
    %dma_start3A_110 = arith.constant 11 : i32
    %dma_start3A_111 = arith.constant 1408 : i32
    %dma_start3A_112 = arith.constant 0 : i32
    %dma_start3A_113 = tpu.memref_slice %arg6[%dma_start3A_111, %dma_start3A_112] : memref<3200x16xf32, #tpu.memory_space<vmem>> -> memref<128x16xf32, #tpu.memory_space<vmem>>
    %dma_start3A_114 = arith.constant 0 : i32
    %dma_start3A_115 = tpu.memref_slice %arg5[%dma_start3A_110, %dma_start3A_114] : memref<25x128xi32, #tpu.memory_space<vmem>> -> memref<1x128xi32, #tpu.memory_space<vmem>>
    %dma_start3A_116 = tpu.memref_squeeze %dma_start3A_115 : memref<1x128xi32, #tpu.memory_space<vmem>> -> memref<128xi32, #tpu.memory_space<vmem>>
    %dma_start3A_117 = arith.constant 0 : i32
    %dma_start3A_118 = arith.constant 0 : i32
    %dma_start3A_119 = tpu.memref_slice %arg2[%dma_start3A_117, %dma_start3A_118] : memref<100000x16xf32, #tpu.memory_space<hbm>> -> memref<100000x16xf32, #tpu.memory_space<hbm>>
    tpu.enqueue_indirect_dma source(%dma_start3A_119 : memref<100000x16xf32, #tpu.memory_space<hbm>>) target(%dma_start3A_113 : memref<128x16xf32, #tpu.memory_space<vmem>>) offsets(%dma_start3A_116 : memref<128xi32, #tpu.memory_space<vmem>>) semaphore(%arg7 : memref<!tpu.dma_semaphore, #tpu.memory_space<semaphore_mem>>)
    %dma_start3A_120 = arith.constant 12 : i32
    %dma_start3A_121 = arith.constant 1536 : i32
    %dma_start3A_122 = arith.constant 0 : i32
    %dma_start3A_123 = tpu.memref_slice %arg6[%dma_start3A_121, %dma_start3A_122] : memref<3200x16xf32, #tpu.memory_space<vmem>> -> memref<128x16xf32, #tpu.memory_space<vmem>>
    %dma_start3A_124 = arith.constant 0 : i32
    %dma_start3A_125 = tpu.memref_slice %arg5[%dma_start3A_120, %dma_start3A_124] : memref<25x128xi32, #tpu.memory_space<vmem>> -> memref<1x128xi32, #tpu.memory_space<vmem>>
    %dma_start3A_126 = tpu.memref_squeeze %dma_start3A_125 : memref<1x128xi32, #tpu.memory_space<vmem>> -> memref<128xi32, #tpu.memory_space<vmem>>
    %dma_start3A_127 = arith.constant 0 : i32
    %dma_start3A_128 = arith.constant 0 : i32
    %dma_start3A_129 = tpu.memref_slice %arg2[%dma_start3A_127, %dma_start3A_128] : memref<100000x16xf32, #tpu.memory_space<hbm>> -> memref<100000x16xf32, #tpu.memory_space<hbm>>
    tpu.enqueue_indirect_dma source(%dma_start3A_129 : memref<100000x16xf32, #tpu.memory_space<hbm>>) target(%dma_start3A_123 : memref<128x16xf32, #tpu.memory_space<vmem>>) offsets(%dma_start3A_126 : memref<128xi32, #tpu.memory_space<vmem>>) semaphore(%arg7 : memref<!tpu.dma_semaphore, #tpu.memory_space<semaphore_mem>>)
    %dma_start3A_130 = arith.constant 13 : i32
    %dma_start3A_131 = arith.constant 1664 : i32
    %dma_start3A_132 = arith.constant 0 : i32
    %dma_start3A_133 = tpu.memref_slice %arg6[%dma_start3A_131, %dma_start3A_132] : memref<3200x16xf32, #tpu.memory_space<vmem>> -> memref<128x16xf32, #tpu.memory_space<vmem>>
    %dma_start3A_134 = arith.constant 0 : i32
    %dma_start3A_135 = tpu.memref_slice %arg5[%dma_start3A_130, %dma_start3A_134] : memref<25x128xi32, #tpu.memory_space<vmem>> -> memref<1x128xi32, #tpu.memory_space<vmem>>
    %dma_start3A_136 = tpu.memref_squeeze %dma_start3A_135 : memref<1x128xi32, #tpu.memory_space<vmem>> -> memref<128xi32, #tpu.memory_space<vmem>>
    %dma_start3A_137 = arith.constant 0 : i32
    %dma_start3A_138 = arith.constant 0 : i32
    %dma_start3A_139 = tpu.memref_slice %arg2[%dma_start3A_137, %dma_start3A_138] : memref<100000x16xf32, #tpu.memory_space<hbm>> -> memref<100000x16xf32, #tpu.memory_space<hbm>>
    tpu.enqueue_indirect_dma source(%dma_start3A_139 : memref<100000x16xf32, #tpu.memory_space<hbm>>) target(%dma_start3A_133 : memref<128x16xf32, #tpu.memory_space<vmem>>) offsets(%dma_start3A_136 : memref<128xi32, #tpu.memory_space<vmem>>) semaphore(%arg7 : memref<!tpu.dma_semaphore, #tpu.memory_space<semaphore_mem>>)
    %dma_start3A_140 = arith.constant 14 : i32
    %dma_start3A_141 = arith.constant 1792 : i32
    %dma_start3A_142 = arith.constant 0 : i32
    %dma_start3A_143 = tpu.memref_slice %arg6[%dma_start3A_141, %dma_start3A_142] : memref<3200x16xf32, #tpu.memory_space<vmem>> -> memref<128x16xf32, #tpu.memory_space<vmem>>
    %dma_start3A_144 = arith.constant 0 : i32
    %dma_start3A_145 = tpu.memref_slice %arg5[%dma_start3A_140, %dma_start3A_144] : memref<25x128xi32, #tpu.memory_space<vmem>> -> memref<1x128xi32, #tpu.memory_space<vmem>>
    %dma_start3A_146 = tpu.memref_squeeze %dma_start3A_145 : memref<1x128xi32, #tpu.memory_space<vmem>> -> memref<128xi32, #tpu.memory_space<vmem>>
    %dma_start3A_147 = arith.constant 0 : i32
    %dma_start3A_148 = arith.constant 0 : i32
    %dma_start3A_149 = tpu.memref_slice %arg2[%dma_start3A_147, %dma_start3A_148] : memref<100000x16xf32, #tpu.memory_space<hbm>> -> memref<100000x16xf32, #tpu.memory_space<hbm>>
    tpu.enqueue_indirect_dma source(%dma_start3A_149 : memref<100000x16xf32, #tpu.memory_space<hbm>>) target(%dma_start3A_143 : memref<128x16xf32, #tpu.memory_space<vmem>>) offsets(%dma_start3A_146 : memref<128xi32, #tpu.memory_space<vmem>>) semaphore(%arg7 : memref<!tpu.dma_semaphore, #tpu.memory_space<semaphore_mem>>)
    %dma_start3A_150 = arith.constant 15 : i32
    %dma_start3A_151 = arith.constant 1920 : i32
    %dma_start3A_152 = arith.constant 0 : i32
    %dma_start3A_153 = tpu.memref_slice %arg6[%dma_start3A_151, %dma_start3A_152] : memref<3200x16xf32, #tpu.memory_space<vmem>> -> memref<128x16xf32, #tpu.memory_space<vmem>>
    %dma_start3A_154 = arith.constant 0 : i32
    %dma_start3A_155 = tpu.memref_slice %arg5[%dma_start3A_150, %dma_start3A_154] : memref<25x128xi32, #tpu.memory_space<vmem>> -> memref<1x128xi32, #tpu.memory_space<vmem>>
    %dma_start3A_156 = tpu.memref_squeeze %dma_start3A_155 : memref<1x128xi32, #tpu.memory_space<vmem>> -> memref<128xi32, #tpu.memory_space<vmem>>
    %dma_start3A_157 = arith.constant 0 : i32
    %dma_start3A_158 = arith.constant 0 : i32
    %dma_start3A_159 = tpu.memref_slice %arg2[%dma_start3A_157, %dma_start3A_158] : memref<100000x16xf32, #tpu.memory_space<hbm>> -> memref<100000x16xf32, #tpu.memory_space<hbm>>
    tpu.enqueue_indirect_dma source(%dma_start3A_159 : memref<100000x16xf32, #tpu.memory_space<hbm>>) target(%dma_start3A_153 : memref<128x16xf32, #tpu.memory_space<vmem>>) offsets(%dma_start3A_156 : memref<128xi32, #tpu.memory_space<vmem>>) semaphore(%arg7 : memref<!tpu.dma_semaphore, #tpu.memory_space<semaphore_mem>>)
    %dma_start3A_160 = arith.constant 16 : i32
    %dma_start3A_161 = arith.constant 2048 : i32
    %dma_start3A_162 = arith.constant 0 : i32
    %dma_start3A_163 = tpu.memref_slice %arg6[%dma_start3A_161, %dma_start3A_162] : memref<3200x16xf32, #tpu.memory_space<vmem>> -> memref<128x16xf32, #tpu.memory_space<vmem>>
    %dma_start3A_164 = arith.constant 0 : i32
    %dma_start3A_165 = tpu.memref_slice %arg5[%dma_start3A_160, %dma_start3A_164] : memref<25x128xi32, #tpu.memory_space<vmem>> -> memref<1x128xi32, #tpu.memory_space<vmem>>
    %dma_start3A_166 = tpu.memref_squeeze %dma_start3A_165 : memref<1x128xi32, #tpu.memory_space<vmem>> -> memref<128xi32, #tpu.memory_space<vmem>>
    %dma_start3A_167 = arith.constant 0 : i32
    %dma_start3A_168 = arith.constant 0 : i32
    %dma_start3A_169 = tpu.memref_slice %arg2[%dma_start3A_167, %dma_start3A_168] : memref<100000x16xf32, #tpu.memory_space<hbm>> -> memref<100000x16xf32, #tpu.memory_space<hbm>>
    tpu.enqueue_indirect_dma source(%dma_start3A_169 : memref<100000x16xf32, #tpu.memory_space<hbm>>) target(%dma_start3A_163 : memref<128x16xf32, #tpu.memory_space<vmem>>) offsets(%dma_start3A_166 : memref<128xi32, #tpu.memory_space<vmem>>) semaphore(%arg7 : memref<!tpu.dma_semaphore, #tpu.memory_space<semaphore_mem>>)
    %dma_start3A_170 = arith.constant 17 : i32
    %dma_start3A_171 = arith.constant 2176 : i32
    %dma_start3A_172 = arith.constant 0 : i32
    %dma_start3A_173 = tpu.memref_slice %arg6[%dma_start3A_171, %dma_start3A_172] : memref<3200x16xf32, #tpu.memory_space<vmem>> -> memref<128x16xf32, #tpu.memory_space<vmem>>
    %dma_start3A_174 = arith.constant 0 : i32
    %dma_start3A_175 = tpu.memref_slice %arg5[%dma_start3A_170, %dma_start3A_174] : memref<25x128xi32, #tpu.memory_space<vmem>> -> memref<1x128xi32, #tpu.memory_space<vmem>>
    %dma_start3A_176 = tpu.memref_squeeze %dma_start3A_175 : memref<1x128xi32, #tpu.memory_space<vmem>> -> memref<128xi32, #tpu.memory_space<vmem>>
    %dma_start3A_177 = arith.constant 0 : i32
    %dma_start3A_178 = arith.constant 0 : i32
    %dma_start3A_179 = tpu.memref_slice %arg2[%dma_start3A_177, %dma_start3A_178] : memref<100000x16xf32, #tpu.memory_space<hbm>> -> memref<100000x16xf32, #tpu.memory_space<hbm>>
    tpu.enqueue_indirect_dma source(%dma_start3A_179 : memref<100000x16xf32, #tpu.memory_space<hbm>>) target(%dma_start3A_173 : memref<128x16xf32, #tpu.memory_space<vmem>>) offsets(%dma_start3A_176 : memref<128xi32, #tpu.memory_space<vmem>>) semaphore(%arg7 : memref<!tpu.dma_semaphore, #tpu.memory_space<semaphore_mem>>)
    %dma_start3A_180 = arith.constant 18 : i32
    %dma_start3A_181 = arith.constant 2304 : i32
    %dma_start3A_182 = arith.constant 0 : i32
    %dma_start3A_183 = tpu.memref_slice %arg6[%dma_start3A_181, %dma_start3A_182] : memref<3200x16xf32, #tpu.memory_space<vmem>> -> memref<128x16xf32, #tpu.memory_space<vmem>>
    %dma_start3A_184 = arith.constant 0 : i32
    %dma_start3A_185 = tpu.memref_slice %arg5[%dma_start3A_180, %dma_start3A_184] : memref<25x128xi32, #tpu.memory_space<vmem>> -> memref<1x128xi32, #tpu.memory_space<vmem>>
    %dma_start3A_186 = tpu.memref_squeeze %dma_start3A_185 : memref<1x128xi32, #tpu.memory_space<vmem>> -> memref<128xi32, #tpu.memory_space<vmem>>
    %dma_start3A_187 = arith.constant 0 : i32
    %dma_start3A_188 = arith.constant 0 : i32
    %dma_start3A_189 = tpu.memref_slice %arg2[%dma_start3A_187, %dma_start3A_188] : memref<100000x16xf32, #tpu.memory_space<hbm>> -> memref<100000x16xf32, #tpu.memory_space<hbm>>
    tpu.enqueue_indirect_dma source(%dma_start3A_189 : memref<100000x16xf32, #tpu.memory_space<hbm>>) target(%dma_start3A_183 : memref<128x16xf32, #tpu.memory_space<vmem>>) offsets(%dma_start3A_186 : memref<128xi32, #tpu.memory_space<vmem>>) semaphore(%arg7 : memref<!tpu.dma_semaphore, #tpu.memory_space<semaphore_mem>>)
    %dma_start3A_190 = arith.constant 19 : i32
    %dma_start3A_191 = arith.constant 2432 : i32
    %dma_start3A_192 = arith.constant 0 : i32
    %dma_start3A_193 = tpu.memref_slice %arg6[%dma_start3A_191, %dma_start3A_192] : memref<3200x16xf32, #tpu.memory_space<vmem>> -> memref<128x16xf32, #tpu.memory_space<vmem>>
    %dma_start3A_194 = arith.constant 0 : i32
    %dma_start3A_195 = tpu.memref_slice %arg5[%dma_start3A_190, %dma_start3A_194] : memref<25x128xi32, #tpu.memory_space<vmem>> -> memref<1x128xi32, #tpu.memory_space<vmem>>
    %dma_start3A_196 = tpu.memref_squeeze %dma_start3A_195 : memref<1x128xi32, #tpu.memory_space<vmem>> -> memref<128xi32, #tpu.memory_space<vmem>>
    %dma_start3A_197 = arith.constant 0 : i32
    %dma_start3A_198 = arith.constant 0 : i32
    %dma_start3A_199 = tpu.memref_slice %arg2[%dma_start3A_197, %dma_start3A_198] : memref<100000x16xf32, #tpu.memory_space<hbm>> -> memref<100000x16xf32, #tpu.memory_space<hbm>>
    tpu.enqueue_indirect_dma source(%dma_start3A_199 : memref<100000x16xf32, #tpu.memory_space<hbm>>) target(%dma_start3A_193 : memref<128x16xf32, #tpu.memory_space<vmem>>) offsets(%dma_start3A_196 : memref<128xi32, #tpu.memory_space<vmem>>) semaphore(%arg7 : memref<!tpu.dma_semaphore, #tpu.memory_space<semaphore_mem>>)
    %dma_start3A_200 = arith.constant 20 : i32
    %dma_start3A_201 = arith.constant 2560 : i32
    %dma_start3A_202 = arith.constant 0 : i32
    %dma_start3A_203 = tpu.memref_slice %arg6[%dma_start3A_201, %dma_start3A_202] : memref<3200x16xf32, #tpu.memory_space<vmem>> -> memref<128x16xf32, #tpu.memory_space<vmem>>
    %dma_start3A_204 = arith.constant 0 : i32
    %dma_start3A_205 = tpu.memref_slice %arg5[%dma_start3A_200, %dma_start3A_204] : memref<25x128xi32, #tpu.memory_space<vmem>> -> memref<1x128xi32, #tpu.memory_space<vmem>>
    %dma_start3A_206 = tpu.memref_squeeze %dma_start3A_205 : memref<1x128xi32, #tpu.memory_space<vmem>> -> memref<128xi32, #tpu.memory_space<vmem>>
    %dma_start3A_207 = arith.constant 0 : i32
    %dma_start3A_208 = arith.constant 0 : i32
    %dma_start3A_209 = tpu.memref_slice %arg2[%dma_start3A_207, %dma_start3A_208] : memref<100000x16xf32, #tpu.memory_space<hbm>> -> memref<100000x16xf32, #tpu.memory_space<hbm>>
    tpu.enqueue_indirect_dma source(%dma_start3A_209 : memref<100000x16xf32, #tpu.memory_space<hbm>>) target(%dma_start3A_203 : memref<128x16xf32, #tpu.memory_space<vmem>>) offsets(%dma_start3A_206 : memref<128xi32, #tpu.memory_space<vmem>>) semaphore(%arg7 : memref<!tpu.dma_semaphore, #tpu.memory_space<semaphore_mem>>)
    %dma_start3A_210 = arith.constant 21 : i32
    %dma_start3A_211 = arith.constant 2688 : i32
    %dma_start3A_212 = arith.constant 0 : i32
    %dma_start3A_213 = tpu.memref_slice %arg6[%dma_start3A_211, %dma_start3A_212] : memref<3200x16xf32, #tpu.memory_space<vmem>> -> memref<128x16xf32, #tpu.memory_space<vmem>>
    %dma_start3A_214 = arith.constant 0 : i32
    %dma_start3A_215 = tpu.memref_slice %arg5[%dma_start3A_210, %dma_start3A_214] : memref<25x128xi32, #tpu.memory_space<vmem>> -> memref<1x128xi32, #tpu.memory_space<vmem>>
    %dma_start3A_216 = tpu.memref_squeeze %dma_start3A_215 : memref<1x128xi32, #tpu.memory_space<vmem>> -> memref<128xi32, #tpu.memory_space<vmem>>
    %dma_start3A_217 = arith.constant 0 : i32
    %dma_start3A_218 = arith.constant 0 : i32
    %dma_start3A_219 = tpu.memref_slice %arg2[%dma_start3A_217, %dma_start3A_218] : memref<100000x16xf32, #tpu.memory_space<hbm>> -> memref<100000x16xf32, #tpu.memory_space<hbm>>
    tpu.enqueue_indirect_dma source(%dma_start3A_219 : memref<100000x16xf32, #tpu.memory_space<hbm>>) target(%dma_start3A_213 : memref<128x16xf32, #tpu.memory_space<vmem>>) offsets(%dma_start3A_216 : memref<128xi32, #tpu.memory_space<vmem>>) semaphore(%arg7 : memref<!tpu.dma_semaphore, #tpu.memory_space<semaphore_mem>>)
    %dma_start3A_220 = arith.constant 22 : i32
    %dma_start3A_221 = arith.constant 2816 : i32
    %dma_start3A_222 = arith.constant 0 : i32
    %dma_start3A_223 = tpu.memref_slice %arg6[%dma_start3A_221, %dma_start3A_222] : memref<3200x16xf32, #tpu.memory_space<vmem>> -> memref<128x16xf32, #tpu.memory_space<vmem>>
    %dma_start3A_224 = arith.constant 0 : i32
    %dma_start3A_225 = tpu.memref_slice %arg5[%dma_start3A_220, %dma_start3A_224] : memref<25x128xi32, #tpu.memory_space<vmem>> -> memref<1x128xi32, #tpu.memory_space<vmem>>
    %dma_start3A_226 = tpu.memref_squeeze %dma_start3A_225 : memref<1x128xi32, #tpu.memory_space<vmem>> -> memref<128xi32, #tpu.memory_space<vmem>>
    %dma_start3A_227 = arith.constant 0 : i32
    %dma_start3A_228 = arith.constant 0 : i32
    %dma_start3A_229 = tpu.memref_slice %arg2[%dma_start3A_227, %dma_start3A_228] : memref<100000x16xf32, #tpu.memory_space<hbm>> -> memref<100000x16xf32, #tpu.memory_space<hbm>>
    tpu.enqueue_indirect_dma source(%dma_start3A_229 : memref<100000x16xf32, #tpu.memory_space<hbm>>) target(%dma_start3A_223 : memref<128x16xf32, #tpu.memory_space<vmem>>) offsets(%dma_start3A_226 : memref<128xi32, #tpu.memory_space<vmem>>) semaphore(%arg7 : memref<!tpu.dma_semaphore, #tpu.memory_space<semaphore_mem>>)
    %dma_start3A_230 = arith.constant 23 : i32
    %dma_start3A_231 = arith.constant 2944 : i32
    %dma_start3A_232 = arith.constant 0 : i32
    %dma_start3A_233 = tpu.memref_slice %arg6[%dma_start3A_231, %dma_start3A_232] : memref<3200x16xf32, #tpu.memory_space<vmem>> -> memref<128x16xf32, #tpu.memory_space<vmem>>
    %dma_start3A_234 = arith.constant 0 : i32
    %dma_start3A_235 = tpu.memref_slice %arg5[%dma_start3A_230, %dma_start3A_234] : memref<25x128xi32, #tpu.memory_space<vmem>> -> memref<1x128xi32, #tpu.memory_space<vmem>>
    %dma_start3A_236 = tpu.memref_squeeze %dma_start3A_235 : memref<1x128xi32, #tpu.memory_space<vmem>> -> memref<128xi32, #tpu.memory_space<vmem>>
    %dma_start3A_237 = arith.constant 0 : i32
    %dma_start3A_238 = arith.constant 0 : i32
    %dma_start3A_239 = tpu.memref_slice %arg2[%dma_start3A_237, %dma_start3A_238] : memref<100000x16xf32, #tpu.memory_space<hbm>> -> memref<100000x16xf32, #tpu.memory_space<hbm>>
    tpu.enqueue_indirect_dma source(%dma_start3A_239 : memref<100000x16xf32, #tpu.memory_space<hbm>>) target(%dma_start3A_233 : memref<128x16xf32, #tpu.memory_space<vmem>>) offsets(%dma_start3A_236 : memref<128xi32, #tpu.memory_space<vmem>>) semaphore(%arg7 : memref<!tpu.dma_semaphore, #tpu.memory_space<semaphore_mem>>)
    %dma_start3A_240 = arith.constant 24 : i32
    %dma_start3A_241 = arith.constant 3072 : i32
    %dma_start3A_242 = arith.constant 0 : i32
    %dma_start3A_243 = tpu.memref_slice %arg6[%dma_start3A_241, %dma_start3A_242] : memref<3200x16xf32, #tpu.memory_space<vmem>> -> memref<128x16xf32, #tpu.memory_space<vmem>>
    %dma_start3A_244 = arith.constant 0 : i32
    %dma_start3A_245 = tpu.memref_slice %arg5[%dma_start3A_240, %dma_start3A_244] : memref<25x128xi32, #tpu.memory_space<vmem>> -> memref<1x128xi32, #tpu.memory_space<vmem>>
    %dma_start3A_246 = tpu.memref_squeeze %dma_start3A_245 : memref<1x128xi32, #tpu.memory_space<vmem>> -> memref<128xi32, #tpu.memory_space<vmem>>
    %dma_start3A_247 = arith.constant 0 : i32
    %dma_start3A_248 = arith.constant 0 : i32
    %dma_start3A_249 = tpu.memref_slice %arg2[%dma_start3A_247, %dma_start3A_248] : memref<100000x16xf32, #tpu.memory_space<hbm>> -> memref<100000x16xf32, #tpu.memory_space<hbm>>
    tpu.enqueue_indirect_dma source(%dma_start3A_249 : memref<100000x16xf32, #tpu.memory_space<hbm>>) target(%dma_start3A_243 : memref<128x16xf32, #tpu.memory_space<vmem>>) offsets(%dma_start3A_246 : memref<128xi32, #tpu.memory_space<vmem>>) semaphore(%arg7 : memref<!tpu.dma_semaphore, #tpu.memory_space<semaphore_mem>>)
    %dma_wait3A = arith.constant 0 : i32
    %dma_wait3A_250 = arith.constant 0 : i32
    %dma_wait3A_251 = arith.constant 0 : i32
    %dma_wait3A_252 = tpu.memref_slice %arg6[%dma_wait3A_250, %dma_wait3A_251] : memref<3200x16xf32, #tpu.memory_space<vmem>> -> memref<128x16xf32, #tpu.memory_space<vmem>>
    %dma_wait3A_253 = arith.constant 0 : i32
    %dma_wait3A_254 = tpu.memref_slice %arg5[%dma_wait3A, %dma_wait3A_253] : memref<25x128xi32, #tpu.memory_space<vmem>> -> memref<1x128xi32, #tpu.memory_space<vmem>>
    %dma_wait3A_255 = tpu.memref_squeeze %dma_wait3A_254 : memref<1x128xi32, #tpu.memory_space<vmem>> -> memref<128xi32, #tpu.memory_space<vmem>>
    %dma_wait3A_256 = arith.constant 0 : i32
    %dma_wait3A_257 = arith.constant 0 : i32
    %dma_wait3A_258 = tpu.memref_slice %arg2[%dma_wait3A_256, %dma_wait3A_257] : memref<100000x16xf32, #tpu.memory_space<hbm>> -> memref<100000x16xf32, #tpu.memory_space<hbm>>
    tpu.wait_indirect_dma semaphore(%arg7 : memref<!tpu.dma_semaphore, #tpu.memory_space<semaphore_mem>>) src(%dma_wait3A_258 : memref<100000x16xf32, #tpu.memory_space<hbm>>) dst(%dma_wait3A_252 : memref<128x16xf32, #tpu.memory_space<vmem>>)
    %dma_wait3A_259 = arith.constant 1 : i32
    %dma_wait3A_260 = arith.constant 128 : i32
    %dma_wait3A_261 = arith.constant 0 : i32
    %dma_wait3A_262 = tpu.memref_slice %arg6[%dma_wait3A_260, %dma_wait3A_261] : memref<3200x16xf32, #tpu.memory_space<vmem>> -> memref<128x16xf32, #tpu.memory_space<vmem>>
    %dma_wait3A_263 = arith.constant 0 : i32
    %dma_wait3A_264 = tpu.memref_slice %arg5[%dma_wait3A_259, %dma_wait3A_263] : memref<25x128xi32, #tpu.memory_space<vmem>> -> memref<1x128xi32, #tpu.memory_space<vmem>>
    %dma_wait3A_265 = tpu.memref_squeeze %dma_wait3A_264 : memref<1x128xi32, #tpu.memory_space<vmem>> -> memref<128xi32, #tpu.memory_space<vmem>>
    %dma_wait3A_266 = arith.constant 0 : i32
    %dma_wait3A_267 = arith.constant 0 : i32
    %dma_wait3A_268 = tpu.memref_slice %arg2[%dma_wait3A_266, %dma_wait3A_267] : memref<100000x16xf32, #tpu.memory_space<hbm>> -> memref<100000x16xf32, #tpu.memory_space<hbm>>
    tpu.wait_indirect_dma semaphore(%arg7 : memref<!tpu.dma_semaphore, #tpu.memory_space<semaphore_mem>>) src(%dma_wait3A_268 : memref<100000x16xf32, #tpu.memory_space<hbm>>) dst(%dma_wait3A_262 : memref<128x16xf32, #tpu.memory_space<vmem>>)
    %dma_wait3A_269 = arith.constant 2 : i32
    %dma_wait3A_270 = arith.constant 256 : i32
    %dma_wait3A_271 = arith.constant 0 : i32
    %dma_wait3A_272 = tpu.memref_slice %arg6[%dma_wait3A_270, %dma_wait3A_271] : memref<3200x16xf32, #tpu.memory_space<vmem>> -> memref<128x16xf32, #tpu.memory_space<vmem>>
    %dma_wait3A_273 = arith.constant 0 : i32
    %dma_wait3A_274 = tpu.memref_slice %arg5[%dma_wait3A_269, %dma_wait3A_273] : memref<25x128xi32, #tpu.memory_space<vmem>> -> memref<1x128xi32, #tpu.memory_space<vmem>>
    %dma_wait3A_275 = tpu.memref_squeeze %dma_wait3A_274 : memref<1x128xi32, #tpu.memory_space<vmem>> -> memref<128xi32, #tpu.memory_space<vmem>>
    %dma_wait3A_276 = arith.constant 0 : i32
    %dma_wait3A_277 = arith.constant 0 : i32
    %dma_wait3A_278 = tpu.memref_slice %arg2[%dma_wait3A_276, %dma_wait3A_277] : memref<100000x16xf32, #tpu.memory_space<hbm>> -> memref<100000x16xf32, #tpu.memory_space<hbm>>
    tpu.wait_indirect_dma semaphore(%arg7 : memref<!tpu.dma_semaphore, #tpu.memory_space<semaphore_mem>>) src(%dma_wait3A_278 : memref<100000x16xf32, #tpu.memory_space<hbm>>) dst(%dma_wait3A_272 : memref<128x16xf32, #tpu.memory_space<vmem>>)
    %dma_wait3A_279 = arith.constant 3 : i32
    %dma_wait3A_280 = arith.constant 384 : i32
    %dma_wait3A_281 = arith.constant 0 : i32
    %dma_wait3A_282 = tpu.memref_slice %arg6[%dma_wait3A_280, %dma_wait3A_281] : memref<3200x16xf32, #tpu.memory_space<vmem>> -> memref<128x16xf32, #tpu.memory_space<vmem>>
    %dma_wait3A_283 = arith.constant 0 : i32
    %dma_wait3A_284 = tpu.memref_slice %arg5[%dma_wait3A_279, %dma_wait3A_283] : memref<25x128xi32, #tpu.memory_space<vmem>> -> memref<1x128xi32, #tpu.memory_space<vmem>>
    %dma_wait3A_285 = tpu.memref_squeeze %dma_wait3A_284 : memref<1x128xi32, #tpu.memory_space<vmem>> -> memref<128xi32, #tpu.memory_space<vmem>>
    %dma_wait3A_286 = arith.constant 0 : i32
    %dma_wait3A_287 = arith.constant 0 : i32
    %dma_wait3A_288 = tpu.memref_slice %arg2[%dma_wait3A_286, %dma_wait3A_287] : memref<100000x16xf32, #tpu.memory_space<hbm>> -> memref<100000x16xf32, #tpu.memory_space<hbm>>
    tpu.wait_indirect_dma semaphore(%arg7 : memref<!tpu.dma_semaphore, #tpu.memory_space<semaphore_mem>>) src(%dma_wait3A_288 : memref<100000x16xf32, #tpu.memory_space<hbm>>) dst(%dma_wait3A_282 : memref<128x16xf32, #tpu.memory_space<vmem>>)
    %dma_wait3A_289 = arith.constant 4 : i32
    %dma_wait3A_290 = arith.constant 512 : i32
    %dma_wait3A_291 = arith.constant 0 : i32
    %dma_wait3A_292 = tpu.memref_slice %arg6[%dma_wait3A_290, %dma_wait3A_291] : memref<3200x16xf32, #tpu.memory_space<vmem>> -> memref<128x16xf32, #tpu.memory_space<vmem>>
    %dma_wait3A_293 = arith.constant 0 : i32
    %dma_wait3A_294 = tpu.memref_slice %arg5[%dma_wait3A_289, %dma_wait3A_293] : memref<25x128xi32, #tpu.memory_space<vmem>> -> memref<1x128xi32, #tpu.memory_space<vmem>>
    %dma_wait3A_295 = tpu.memref_squeeze %dma_wait3A_294 : memref<1x128xi32, #tpu.memory_space<vmem>> -> memref<128xi32, #tpu.memory_space<vmem>>
    %dma_wait3A_296 = arith.constant 0 : i32
    %dma_wait3A_297 = arith.constant 0 : i32
    %dma_wait3A_298 = tpu.memref_slice %arg2[%dma_wait3A_296, %dma_wait3A_297] : memref<100000x16xf32, #tpu.memory_space<hbm>> -> memref<100000x16xf32, #tpu.memory_space<hbm>>
    tpu.wait_indirect_dma semaphore(%arg7 : memref<!tpu.dma_semaphore, #tpu.memory_space<semaphore_mem>>) src(%dma_wait3A_298 : memref<100000x16xf32, #tpu.memory_space<hbm>>) dst(%dma_wait3A_292 : memref<128x16xf32, #tpu.memory_space<vmem>>)
    %dma_wait3A_299 = arith.constant 5 : i32
    %dma_wait3A_300 = arith.constant 640 : i32
    %dma_wait3A_301 = arith.constant 0 : i32
    %dma_wait3A_302 = tpu.memref_slice %arg6[%dma_wait3A_300, %dma_wait3A_301] : memref<3200x16xf32, #tpu.memory_space<vmem>> -> memref<128x16xf32, #tpu.memory_space<vmem>>
    %dma_wait3A_303 = arith.constant 0 : i32
    %dma_wait3A_304 = tpu.memref_slice %arg5[%dma_wait3A_299, %dma_wait3A_303] : memref<25x128xi32, #tpu.memory_space<vmem>> -> memref<1x128xi32, #tpu.memory_space<vmem>>
    %dma_wait3A_305 = tpu.memref_squeeze %dma_wait3A_304 : memref<1x128xi32, #tpu.memory_space<vmem>> -> memref<128xi32, #tpu.memory_space<vmem>>
    %dma_wait3A_306 = arith.constant 0 : i32
    %dma_wait3A_307 = arith.constant 0 : i32
    %dma_wait3A_308 = tpu.memref_slice %arg2[%dma_wait3A_306, %dma_wait3A_307] : memref<100000x16xf32, #tpu.memory_space<hbm>> -> memref<100000x16xf32, #tpu.memory_space<hbm>>
    tpu.wait_indirect_dma semaphore(%arg7 : memref<!tpu.dma_semaphore, #tpu.memory_space<semaphore_mem>>) src(%dma_wait3A_308 : memref<100000x16xf32, #tpu.memory_space<hbm>>) dst(%dma_wait3A_302 : memref<128x16xf32, #tpu.memory_space<vmem>>)
    %dma_wait3A_309 = arith.constant 6 : i32
    %dma_wait3A_310 = arith.constant 768 : i32
    %dma_wait3A_311 = arith.constant 0 : i32
    %dma_wait3A_312 = tpu.memref_slice %arg6[%dma_wait3A_310, %dma_wait3A_311] : memref<3200x16xf32, #tpu.memory_space<vmem>> -> memref<128x16xf32, #tpu.memory_space<vmem>>
    %dma_wait3A_313 = arith.constant 0 : i32
    %dma_wait3A_314 = tpu.memref_slice %arg5[%dma_wait3A_309, %dma_wait3A_313] : memref<25x128xi32, #tpu.memory_space<vmem>> -> memref<1x128xi32, #tpu.memory_space<vmem>>
    %dma_wait3A_315 = tpu.memref_squeeze %dma_wait3A_314 : memref<1x128xi32, #tpu.memory_space<vmem>> -> memref<128xi32, #tpu.memory_space<vmem>>
    %dma_wait3A_316 = arith.constant 0 : i32
    %dma_wait3A_317 = arith.constant 0 : i32
    %dma_wait3A_318 = tpu.memref_slice %arg2[%dma_wait3A_316, %dma_wait3A_317] : memref<100000x16xf32, #tpu.memory_space<hbm>> -> memref<100000x16xf32, #tpu.memory_space<hbm>>
    tpu.wait_indirect_dma semaphore(%arg7 : memref<!tpu.dma_semaphore, #tpu.memory_space<semaphore_mem>>) src(%dma_wait3A_318 : memref<100000x16xf32, #tpu.memory_space<hbm>>) dst(%dma_wait3A_312 : memref<128x16xf32, #tpu.memory_space<vmem>>)
    %dma_wait3A_319 = arith.constant 7 : i32
    %dma_wait3A_320 = arith.constant 896 : i32
    %dma_wait3A_321 = arith.constant 0 : i32
    %dma_wait3A_322 = tpu.memref_slice %arg6[%dma_wait3A_320, %dma_wait3A_321] : memref<3200x16xf32, #tpu.memory_space<vmem>> -> memref<128x16xf32, #tpu.memory_space<vmem>>
    %dma_wait3A_323 = arith.constant 0 : i32
    %dma_wait3A_324 = tpu.memref_slice %arg5[%dma_wait3A_319, %dma_wait3A_323] : memref<25x128xi32, #tpu.memory_space<vmem>> -> memref<1x128xi32, #tpu.memory_space<vmem>>
    %dma_wait3A_325 = tpu.memref_squeeze %dma_wait3A_324 : memref<1x128xi32, #tpu.memory_space<vmem>> -> memref<128xi32, #tpu.memory_space<vmem>>
    %dma_wait3A_326 = arith.constant 0 : i32
    %dma_wait3A_327 = arith.constant 0 : i32
    %dma_wait3A_328 = tpu.memref_slice %arg2[%dma_wait3A_326, %dma_wait3A_327] : memref<100000x16xf32, #tpu.memory_space<hbm>> -> memref<100000x16xf32, #tpu.memory_space<hbm>>
    tpu.wait_indirect_dma semaphore(%arg7 : memref<!tpu.dma_semaphore, #tpu.memory_space<semaphore_mem>>) src(%dma_wait3A_328 : memref<100000x16xf32, #tpu.memory_space<hbm>>) dst(%dma_wait3A_322 : memref<128x16xf32, #tpu.memory_space<vmem>>)
    %dma_wait3A_329 = arith.constant 8 : i32
    %dma_wait3A_330 = arith.constant 1024 : i32
    %dma_wait3A_331 = arith.constant 0 : i32
    %dma_wait3A_332 = tpu.memref_slice %arg6[%dma_wait3A_330, %dma_wait3A_331] : memref<3200x16xf32, #tpu.memory_space<vmem>> -> memref<128x16xf32, #tpu.memory_space<vmem>>
    %dma_wait3A_333 = arith.constant 0 : i32
    %dma_wait3A_334 = tpu.memref_slice %arg5[%dma_wait3A_329, %dma_wait3A_333] : memref<25x128xi32, #tpu.memory_space<vmem>> -> memref<1x128xi32, #tpu.memory_space<vmem>>
    %dma_wait3A_335 = tpu.memref_squeeze %dma_wait3A_334 : memref<1x128xi32, #tpu.memory_space<vmem>> -> memref<128xi32, #tpu.memory_space<vmem>>
    %dma_wait3A_336 = arith.constant 0 : i32
    %dma_wait3A_337 = arith.constant 0 : i32
    %dma_wait3A_338 = tpu.memref_slice %arg2[%dma_wait3A_336, %dma_wait3A_337] : memref<100000x16xf32, #tpu.memory_space<hbm>> -> memref<100000x16xf32, #tpu.memory_space<hbm>>
    tpu.wait_indirect_dma semaphore(%arg7 : memref<!tpu.dma_semaphore, #tpu.memory_space<semaphore_mem>>) src(%dma_wait3A_338 : memref<100000x16xf32, #tpu.memory_space<hbm>>) dst(%dma_wait3A_332 : memref<128x16xf32, #tpu.memory_space<vmem>>)
    %dma_wait3A_339 = arith.constant 9 : i32
    %dma_wait3A_340 = arith.constant 1152 : i32
    %dma_wait3A_341 = arith.constant 0 : i32
    %dma_wait3A_342 = tpu.memref_slice %arg6[%dma_wait3A_340, %dma_wait3A_341] : memref<3200x16xf32, #tpu.memory_space<vmem>> -> memref<128x16xf32, #tpu.memory_space<vmem>>
    %dma_wait3A_343 = arith.constant 0 : i32
    %dma_wait3A_344 = tpu.memref_slice %arg5[%dma_wait3A_339, %dma_wait3A_343] : memref<25x128xi32, #tpu.memory_space<vmem>> -> memref<1x128xi32, #tpu.memory_space<vmem>>
    %dma_wait3A_345 = tpu.memref_squeeze %dma_wait3A_344 : memref<1x128xi32, #tpu.memory_space<vmem>> -> memref<128xi32, #tpu.memory_space<vmem>>
    %dma_wait3A_346 = arith.constant 0 : i32
    %dma_wait3A_347 = arith.constant 0 : i32
    %dma_wait3A_348 = tpu.memref_slice %arg2[%dma_wait3A_346, %dma_wait3A_347] : memref<100000x16xf32, #tpu.memory_space<hbm>> -> memref<100000x16xf32, #tpu.memory_space<hbm>>
    tpu.wait_indirect_dma semaphore(%arg7 : memref<!tpu.dma_semaphore, #tpu.memory_space<semaphore_mem>>) src(%dma_wait3A_348 : memref<100000x16xf32, #tpu.memory_space<hbm>>) dst(%dma_wait3A_342 : memref<128x16xf32, #tpu.memory_space<vmem>>)
    %dma_wait3A_349 = arith.constant 10 : i32
    %dma_wait3A_350 = arith.constant 1280 : i32
    %dma_wait3A_351 = arith.constant 0 : i32
    %dma_wait3A_352 = tpu.memref_slice %arg6[%dma_wait3A_350, %dma_wait3A_351] : memref<3200x16xf32, #tpu.memory_space<vmem>> -> memref<128x16xf32, #tpu.memory_space<vmem>>
    %dma_wait3A_353 = arith.constant 0 : i32
    %dma_wait3A_354 = tpu.memref_slice %arg5[%dma_wait3A_349, %dma_wait3A_353] : memref<25x128xi32, #tpu.memory_space<vmem>> -> memref<1x128xi32, #tpu.memory_space<vmem>>
    %dma_wait3A_355 = tpu.memref_squeeze %dma_wait3A_354 : memref<1x128xi32, #tpu.memory_space<vmem>> -> memref<128xi32, #tpu.memory_space<vmem>>
    %dma_wait3A_356 = arith.constant 0 : i32
    %dma_wait3A_357 = arith.constant 0 : i32
    %dma_wait3A_358 = tpu.memref_slice %arg2[%dma_wait3A_356, %dma_wait3A_357] : memref<100000x16xf32, #tpu.memory_space<hbm>> -> memref<100000x16xf32, #tpu.memory_space<hbm>>
    tpu.wait_indirect_dma semaphore(%arg7 : memref<!tpu.dma_semaphore, #tpu.memory_space<semaphore_mem>>) src(%dma_wait3A_358 : memref<100000x16xf32, #tpu.memory_space<hbm>>) dst(%dma_wait3A_352 : memref<128x16xf32, #tpu.memory_space<vmem>>)
    %dma_wait3A_359 = arith.constant 11 : i32
    %dma_wait3A_360 = arith.constant 1408 : i32
    %dma_wait3A_361 = arith.constant 0 : i32
    %dma_wait3A_362 = tpu.memref_slice %arg6[%dma_wait3A_360, %dma_wait3A_361] : memref<3200x16xf32, #tpu.memory_space<vmem>> -> memref<128x16xf32, #tpu.memory_space<vmem>>
    %dma_wait3A_363 = arith.constant 0 : i32
    %dma_wait3A_364 = tpu.memref_slice %arg5[%dma_wait3A_359, %dma_wait3A_363] : memref<25x128xi32, #tpu.memory_space<vmem>> -> memref<1x128xi32, #tpu.memory_space<vmem>>
    %dma_wait3A_365 = tpu.memref_squeeze %dma_wait3A_364 : memref<1x128xi32, #tpu.memory_space<vmem>> -> memref<128xi32, #tpu.memory_space<vmem>>
    %dma_wait3A_366 = arith.constant 0 : i32
    %dma_wait3A_367 = arith.constant 0 : i32
    %dma_wait3A_368 = tpu.memref_slice %arg2[%dma_wait3A_366, %dma_wait3A_367] : memref<100000x16xf32, #tpu.memory_space<hbm>> -> memref<100000x16xf32, #tpu.memory_space<hbm>>
    tpu.wait_indirect_dma semaphore(%arg7 : memref<!tpu.dma_semaphore, #tpu.memory_space<semaphore_mem>>) src(%dma_wait3A_368 : memref<100000x16xf32, #tpu.memory_space<hbm>>) dst(%dma_wait3A_362 : memref<128x16xf32, #tpu.memory_space<vmem>>)
    %dma_wait3A_369 = arith.constant 12 : i32
    %dma_wait3A_370 = arith.constant 1536 : i32
    %dma_wait3A_371 = arith.constant 0 : i32
    %dma_wait3A_372 = tpu.memref_slice %arg6[%dma_wait3A_370, %dma_wait3A_371] : memref<3200x16xf32, #tpu.memory_space<vmem>> -> memref<128x16xf32, #tpu.memory_space<vmem>>
    %dma_wait3A_373 = arith.constant 0 : i32
    %dma_wait3A_374 = tpu.memref_slice %arg5[%dma_wait3A_369, %dma_wait3A_373] : memref<25x128xi32, #tpu.memory_space<vmem>> -> memref<1x128xi32, #tpu.memory_space<vmem>>
    %dma_wait3A_375 = tpu.memref_squeeze %dma_wait3A_374 : memref<1x128xi32, #tpu.memory_space<vmem>> -> memref<128xi32, #tpu.memory_space<vmem>>
    %dma_wait3A_376 = arith.constant 0 : i32
    %dma_wait3A_377 = arith.constant 0 : i32
    %dma_wait3A_378 = tpu.memref_slice %arg2[%dma_wait3A_376, %dma_wait3A_377] : memref<100000x16xf32, #tpu.memory_space<hbm>> -> memref<100000x16xf32, #tpu.memory_space<hbm>>
    tpu.wait_indirect_dma semaphore(%arg7 : memref<!tpu.dma_semaphore, #tpu.memory_space<semaphore_mem>>) src(%dma_wait3A_378 : memref<100000x16xf32, #tpu.memory_space<hbm>>) dst(%dma_wait3A_372 : memref<128x16xf32, #tpu.memory_space<vmem>>)
    %dma_wait3A_379 = arith.constant 13 : i32
    %dma_wait3A_380 = arith.constant 1664 : i32
    %dma_wait3A_381 = arith.constant 0 : i32
    %dma_wait3A_382 = tpu.memref_slice %arg6[%dma_wait3A_380, %dma_wait3A_381] : memref<3200x16xf32, #tpu.memory_space<vmem>> -> memref<128x16xf32, #tpu.memory_space<vmem>>
    %dma_wait3A_383 = arith.constant 0 : i32
    %dma_wait3A_384 = tpu.memref_slice %arg5[%dma_wait3A_379, %dma_wait3A_383] : memref<25x128xi32, #tpu.memory_space<vmem>> -> memref<1x128xi32, #tpu.memory_space<vmem>>
    %dma_wait3A_385 = tpu.memref_squeeze %dma_wait3A_384 : memref<1x128xi32, #tpu.memory_space<vmem>> -> memref<128xi32, #tpu.memory_space<vmem>>
    %dma_wait3A_386 = arith.constant 0 : i32
    %dma_wait3A_387 = arith.constant 0 : i32
    %dma_wait3A_388 = tpu.memref_slice %arg2[%dma_wait3A_386, %dma_wait3A_387] : memref<100000x16xf32, #tpu.memory_space<hbm>> -> memref<100000x16xf32, #tpu.memory_space<hbm>>
    tpu.wait_indirect_dma semaphore(%arg7 : memref<!tpu.dma_semaphore, #tpu.memory_space<semaphore_mem>>) src(%dma_wait3A_388 : memref<100000x16xf32, #tpu.memory_space<hbm>>) dst(%dma_wait3A_382 : memref<128x16xf32, #tpu.memory_space<vmem>>)
    %dma_wait3A_389 = arith.constant 14 : i32
    %dma_wait3A_390 = arith.constant 1792 : i32
    %dma_wait3A_391 = arith.constant 0 : i32
    %dma_wait3A_392 = tpu.memref_slice %arg6[%dma_wait3A_390, %dma_wait3A_391] : memref<3200x16xf32, #tpu.memory_space<vmem>> -> memref<128x16xf32, #tpu.memory_space<vmem>>
    %dma_wait3A_393 = arith.constant 0 : i32
    %dma_wait3A_394 = tpu.memref_slice %arg5[%dma_wait3A_389, %dma_wait3A_393] : memref<25x128xi32, #tpu.memory_space<vmem>> -> memref<1x128xi32, #tpu.memory_space<vmem>>
    %dma_wait3A_395 = tpu.memref_squeeze %dma_wait3A_394 : memref<1x128xi32, #tpu.memory_space<vmem>> -> memref<128xi32, #tpu.memory_space<vmem>>
    %dma_wait3A_396 = arith.constant 0 : i32
    %dma_wait3A_397 = arith.constant 0 : i32
    %dma_wait3A_398 = tpu.memref_slice %arg2[%dma_wait3A_396, %dma_wait3A_397] : memref<100000x16xf32, #tpu.memory_space<hbm>> -> memref<100000x16xf32, #tpu.memory_space<hbm>>
    tpu.wait_indirect_dma semaphore(%arg7 : memref<!tpu.dma_semaphore, #tpu.memory_space<semaphore_mem>>) src(%dma_wait3A_398 : memref<100000x16xf32, #tpu.memory_space<hbm>>) dst(%dma_wait3A_392 : memref<128x16xf32, #tpu.memory_space<vmem>>)
    %dma_wait3A_399 = arith.constant 15 : i32
    %dma_wait3A_400 = arith.constant 1920 : i32
    %dma_wait3A_401 = arith.constant 0 : i32
    %dma_wait3A_402 = tpu.memref_slice %arg6[%dma_wait3A_400, %dma_wait3A_401] : memref<3200x16xf32, #tpu.memory_space<vmem>> -> memref<128x16xf32, #tpu.memory_space<vmem>>
    %dma_wait3A_403 = arith.constant 0 : i32
    %dma_wait3A_404 = tpu.memref_slice %arg5[%dma_wait3A_399, %dma_wait3A_403] : memref<25x128xi32, #tpu.memory_space<vmem>> -> memref<1x128xi32, #tpu.memory_space<vmem>>
    %dma_wait3A_405 = tpu.memref_squeeze %dma_wait3A_404 : memref<1x128xi32, #tpu.memory_space<vmem>> -> memref<128xi32, #tpu.memory_space<vmem>>
    %dma_wait3A_406 = arith.constant 0 : i32
    %dma_wait3A_407 = arith.constant 0 : i32
    %dma_wait3A_408 = tpu.memref_slice %arg2[%dma_wait3A_406, %dma_wait3A_407] : memref<100000x16xf32, #tpu.memory_space<hbm>> -> memref<100000x16xf32, #tpu.memory_space<hbm>>
    tpu.wait_indirect_dma semaphore(%arg7 : memref<!tpu.dma_semaphore, #tpu.memory_space<semaphore_mem>>) src(%dma_wait3A_408 : memref<100000x16xf32, #tpu.memory_space<hbm>>) dst(%dma_wait3A_402 : memref<128x16xf32, #tpu.memory_space<vmem>>)
    %dma_wait3A_409 = arith.constant 16 : i32
    %dma_wait3A_410 = arith.constant 2048 : i32
    %dma_wait3A_411 = arith.constant 0 : i32
    %dma_wait3A_412 = tpu.memref_slice %arg6[%dma_wait3A_410, %dma_wait3A_411] : memref<3200x16xf32, #tpu.memory_space<vmem>> -> memref<128x16xf32, #tpu.memory_space<vmem>>
    %dma_wait3A_413 = arith.constant 0 : i32
    %dma_wait3A_414 = tpu.memref_slice %arg5[%dma_wait3A_409, %dma_wait3A_413] : memref<25x128xi32, #tpu.memory_space<vmem>> -> memref<1x128xi32, #tpu.memory_space<vmem>>
    %dma_wait3A_415 = tpu.memref_squeeze %dma_wait3A_414 : memref<1x128xi32, #tpu.memory_space<vmem>> -> memref<128xi32, #tpu.memory_space<vmem>>
    %dma_wait3A_416 = arith.constant 0 : i32
    %dma_wait3A_417 = arith.constant 0 : i32
    %dma_wait3A_418 = tpu.memref_slice %arg2[%dma_wait3A_416, %dma_wait3A_417] : memref<100000x16xf32, #tpu.memory_space<hbm>> -> memref<100000x16xf32, #tpu.memory_space<hbm>>
    tpu.wait_indirect_dma semaphore(%arg7 : memref<!tpu.dma_semaphore, #tpu.memory_space<semaphore_mem>>) src(%dma_wait3A_418 : memref<100000x16xf32, #tpu.memory_space<hbm>>) dst(%dma_wait3A_412 : memref<128x16xf32, #tpu.memory_space<vmem>>)
    %dma_wait3A_419 = arith.constant 17 : i32
    %dma_wait3A_420 = arith.constant 2176 : i32
    %dma_wait3A_421 = arith.constant 0 : i32
    %dma_wait3A_422 = tpu.memref_slice %arg6[%dma_wait3A_420, %dma_wait3A_421] : memref<3200x16xf32, #tpu.memory_space<vmem>> -> memref<128x16xf32, #tpu.memory_space<vmem>>
    %dma_wait3A_423 = arith.constant 0 : i32
    %dma_wait3A_424 = tpu.memref_slice %arg5[%dma_wait3A_419, %dma_wait3A_423] : memref<25x128xi32, #tpu.memory_space<vmem>> -> memref<1x128xi32, #tpu.memory_space<vmem>>
    %dma_wait3A_425 = tpu.memref_squeeze %dma_wait3A_424 : memref<1x128xi32, #tpu.memory_space<vmem>> -> memref<128xi32, #tpu.memory_space<vmem>>
    %dma_wait3A_426 = arith.constant 0 : i32
    %dma_wait3A_427 = arith.constant 0 : i32
    %dma_wait3A_428 = tpu.memref_slice %arg2[%dma_wait3A_426, %dma_wait3A_427] : memref<100000x16xf32, #tpu.memory_space<hbm>> -> memref<100000x16xf32, #tpu.memory_space<hbm>>
    tpu.wait_indirect_dma semaphore(%arg7 : memref<!tpu.dma_semaphore, #tpu.memory_space<semaphore_mem>>) src(%dma_wait3A_428 : memref<100000x16xf32, #tpu.memory_space<hbm>>) dst(%dma_wait3A_422 : memref<128x16xf32, #tpu.memory_space<vmem>>)
    %dma_wait3A_429 = arith.constant 18 : i32
    %dma_wait3A_430 = arith.constant 2304 : i32
    %dma_wait3A_431 = arith.constant 0 : i32
    %dma_wait3A_432 = tpu.memref_slice %arg6[%dma_wait3A_430, %dma_wait3A_431] : memref<3200x16xf32, #tpu.memory_space<vmem>> -> memref<128x16xf32, #tpu.memory_space<vmem>>
    %dma_wait3A_433 = arith.constant 0 : i32
    %dma_wait3A_434 = tpu.memref_slice %arg5[%dma_wait3A_429, %dma_wait3A_433] : memref<25x128xi32, #tpu.memory_space<vmem>> -> memref<1x128xi32, #tpu.memory_space<vmem>>
    %dma_wait3A_435 = tpu.memref_squeeze %dma_wait3A_434 : memref<1x128xi32, #tpu.memory_space<vmem>> -> memref<128xi32, #tpu.memory_space<vmem>>
    %dma_wait3A_436 = arith.constant 0 : i32
    %dma_wait3A_437 = arith.constant 0 : i32
    %dma_wait3A_438 = tpu.memref_slice %arg2[%dma_wait3A_436, %dma_wait3A_437] : memref<100000x16xf32, #tpu.memory_space<hbm>> -> memref<100000x16xf32, #tpu.memory_space<hbm>>
    tpu.wait_indirect_dma semaphore(%arg7 : memref<!tpu.dma_semaphore, #tpu.memory_space<semaphore_mem>>) src(%dma_wait3A_438 : memref<100000x16xf32, #tpu.memory_space<hbm>>) dst(%dma_wait3A_432 : memref<128x16xf32, #tpu.memory_space<vmem>>)
    %dma_wait3A_439 = arith.constant 19 : i32
    %dma_wait3A_440 = arith.constant 2432 : i32
    %dma_wait3A_441 = arith.constant 0 : i32
    %dma_wait3A_442 = tpu.memref_slice %arg6[%dma_wait3A_440, %dma_wait3A_441] : memref<3200x16xf32, #tpu.memory_space<vmem>> -> memref<128x16xf32, #tpu.memory_space<vmem>>
    %dma_wait3A_443 = arith.constant 0 : i32
    %dma_wait3A_444 = tpu.memref_slice %arg5[%dma_wait3A_439, %dma_wait3A_443] : memref<25x128xi32, #tpu.memory_space<vmem>> -> memref<1x128xi32, #tpu.memory_space<vmem>>
    %dma_wait3A_445 = tpu.memref_squeeze %dma_wait3A_444 : memref<1x128xi32, #tpu.memory_space<vmem>> -> memref<128xi32, #tpu.memory_space<vmem>>
    %dma_wait3A_446 = arith.constant 0 : i32
    %dma_wait3A_447 = arith.constant 0 : i32
    %dma_wait3A_448 = tpu.memref_slice %arg2[%dma_wait3A_446, %dma_wait3A_447] : memref<100000x16xf32, #tpu.memory_space<hbm>> -> memref<100000x16xf32, #tpu.memory_space<hbm>>
    tpu.wait_indirect_dma semaphore(%arg7 : memref<!tpu.dma_semaphore, #tpu.memory_space<semaphore_mem>>) src(%dma_wait3A_448 : memref<100000x16xf32, #tpu.memory_space<hbm>>) dst(%dma_wait3A_442 : memref<128x16xf32, #tpu.memory_space<vmem>>)
    %dma_wait3A_449 = arith.constant 20 : i32
    %dma_wait3A_450 = arith.constant 2560 : i32
    %dma_wait3A_451 = arith.constant 0 : i32
    %dma_wait3A_452 = tpu.memref_slice %arg6[%dma_wait3A_450, %dma_wait3A_451] : memref<3200x16xf32, #tpu.memory_space<vmem>> -> memref<128x16xf32, #tpu.memory_space<vmem>>
    %dma_wait3A_453 = arith.constant 0 : i32
    %dma_wait3A_454 = tpu.memref_slice %arg5[%dma_wait3A_449, %dma_wait3A_453] : memref<25x128xi32, #tpu.memory_space<vmem>> -> memref<1x128xi32, #tpu.memory_space<vmem>>
    %dma_wait3A_455 = tpu.memref_squeeze %dma_wait3A_454 : memref<1x128xi32, #tpu.memory_space<vmem>> -> memref<128xi32, #tpu.memory_space<vmem>>
    %dma_wait3A_456 = arith.constant 0 : i32
    %dma_wait3A_457 = arith.constant 0 : i32
    %dma_wait3A_458 = tpu.memref_slice %arg2[%dma_wait3A_456, %dma_wait3A_457] : memref<100000x16xf32, #tpu.memory_space<hbm>> -> memref<100000x16xf32, #tpu.memory_space<hbm>>
    tpu.wait_indirect_dma semaphore(%arg7 : memref<!tpu.dma_semaphore, #tpu.memory_space<semaphore_mem>>) src(%dma_wait3A_458 : memref<100000x16xf32, #tpu.memory_space<hbm>>) dst(%dma_wait3A_452 : memref<128x16xf32, #tpu.memory_space<vmem>>)
    %dma_wait3A_459 = arith.constant 21 : i32
    %dma_wait3A_460 = arith.constant 2688 : i32
    %dma_wait3A_461 = arith.constant 0 : i32
    %dma_wait3A_462 = tpu.memref_slice %arg6[%dma_wait3A_460, %dma_wait3A_461] : memref<3200x16xf32, #tpu.memory_space<vmem>> -> memref<128x16xf32, #tpu.memory_space<vmem>>
    %dma_wait3A_463 = arith.constant 0 : i32
    %dma_wait3A_464 = tpu.memref_slice %arg5[%dma_wait3A_459, %dma_wait3A_463] : memref<25x128xi32, #tpu.memory_space<vmem>> -> memref<1x128xi32, #tpu.memory_space<vmem>>
    %dma_wait3A_465 = tpu.memref_squeeze %dma_wait3A_464 : memref<1x128xi32, #tpu.memory_space<vmem>> -> memref<128xi32, #tpu.memory_space<vmem>>
    %dma_wait3A_466 = arith.constant 0 : i32
    %dma_wait3A_467 = arith.constant 0 : i32
    %dma_wait3A_468 = tpu.memref_slice %arg2[%dma_wait3A_466, %dma_wait3A_467] : memref<100000x16xf32, #tpu.memory_space<hbm>> -> memref<100000x16xf32, #tpu.memory_space<hbm>>
    tpu.wait_indirect_dma semaphore(%arg7 : memref<!tpu.dma_semaphore, #tpu.memory_space<semaphore_mem>>) src(%dma_wait3A_468 : memref<100000x16xf32, #tpu.memory_space<hbm>>) dst(%dma_wait3A_462 : memref<128x16xf32, #tpu.memory_space<vmem>>)
    %dma_wait3A_469 = arith.constant 22 : i32
    %dma_wait3A_470 = arith.constant 2816 : i32
    %dma_wait3A_471 = arith.constant 0 : i32
    %dma_wait3A_472 = tpu.memref_slice %arg6[%dma_wait3A_470, %dma_wait3A_471] : memref<3200x16xf32, #tpu.memory_space<vmem>> -> memref<128x16xf32, #tpu.memory_space<vmem>>
    %dma_wait3A_473 = arith.constant 0 : i32
    %dma_wait3A_474 = tpu.memref_slice %arg5[%dma_wait3A_469, %dma_wait3A_473] : memref<25x128xi32, #tpu.memory_space<vmem>> -> memref<1x128xi32, #tpu.memory_space<vmem>>
    %dma_wait3A_475 = tpu.memref_squeeze %dma_wait3A_474 : memref<1x128xi32, #tpu.memory_space<vmem>> -> memref<128xi32, #tpu.memory_space<vmem>>
    %dma_wait3A_476 = arith.constant 0 : i32
    %dma_wait3A_477 = arith.constant 0 : i32
    %dma_wait3A_478 = tpu.memref_slice %arg2[%dma_wait3A_476, %dma_wait3A_477] : memref<100000x16xf32, #tpu.memory_space<hbm>> -> memref<100000x16xf32, #tpu.memory_space<hbm>>
    tpu.wait_indirect_dma semaphore(%arg7 : memref<!tpu.dma_semaphore, #tpu.memory_space<semaphore_mem>>) src(%dma_wait3A_478 : memref<100000x16xf32, #tpu.memory_space<hbm>>) dst(%dma_wait3A_472 : memref<128x16xf32, #tpu.memory_space<vmem>>)
    %dma_wait3A_479 = arith.constant 23 : i32
    %dma_wait3A_480 = arith.constant 2944 : i32
    %dma_wait3A_481 = arith.constant 0 : i32
    %dma_wait3A_482 = tpu.memref_slice %arg6[%dma_wait3A_480, %dma_wait3A_481] : memref<3200x16xf32, #tpu.memory_space<vmem>> -> memref<128x16xf32, #tpu.memory_space<vmem>>
    %dma_wait3A_483 = arith.constant 0 : i32
    %dma_wait3A_484 = tpu.memref_slice %arg5[%dma_wait3A_479, %dma_wait3A_483] : memref<25x128xi32, #tpu.memory_space<vmem>> -> memref<1x128xi32, #tpu.memory_space<vmem>>
    %dma_wait3A_485 = tpu.memref_squeeze %dma_wait3A_484 : memref<1x128xi32, #tpu.memory_space<vmem>> -> memref<128xi32, #tpu.memory_space<vmem>>
    %dma_wait3A_486 = arith.constant 0 : i32
    %dma_wait3A_487 = arith.constant 0 : i32
    %dma_wait3A_488 = tpu.memref_slice %arg2[%dma_wait3A_486, %dma_wait3A_487] : memref<100000x16xf32, #tpu.memory_space<hbm>> -> memref<100000x16xf32, #tpu.memory_space<hbm>>
    tpu.wait_indirect_dma semaphore(%arg7 : memref<!tpu.dma_semaphore, #tpu.memory_space<semaphore_mem>>) src(%dma_wait3A_488 : memref<100000x16xf32, #tpu.memory_space<hbm>>) dst(%dma_wait3A_482 : memref<128x16xf32, #tpu.memory_space<vmem>>)
    %dma_wait3A_489 = arith.constant 24 : i32
    %dma_wait3A_490 = arith.constant 3072 : i32
    %dma_wait3A_491 = arith.constant 0 : i32
    %dma_wait3A_492 = tpu.memref_slice %arg6[%dma_wait3A_490, %dma_wait3A_491] : memref<3200x16xf32, #tpu.memory_space<vmem>> -> memref<128x16xf32, #tpu.memory_space<vmem>>
    %dma_wait3A_493 = arith.constant 0 : i32
    %dma_wait3A_494 = tpu.memref_slice %arg5[%dma_wait3A_489, %dma_wait3A_493] : memref<25x128xi32, #tpu.memory_space<vmem>> -> memref<1x128xi32, #tpu.memory_space<vmem>>
    %dma_wait3A_495 = tpu.memref_squeeze %dma_wait3A_494 : memref<1x128xi32, #tpu.memory_space<vmem>> -> memref<128xi32, #tpu.memory_space<vmem>>
    %dma_wait3A_496 = arith.constant 0 : i32
    %dma_wait3A_497 = arith.constant 0 : i32
    %dma_wait3A_498 = tpu.memref_slice %arg2[%dma_wait3A_496, %dma_wait3A_497] : memref<100000x16xf32, #tpu.memory_space<hbm>> -> memref<100000x16xf32, #tpu.memory_space<hbm>>
    tpu.wait_indirect_dma semaphore(%arg7 : memref<!tpu.dma_semaphore, #tpu.memory_space<semaphore_mem>>) src(%dma_wait3A_498 : memref<100000x16xf32, #tpu.memory_space<hbm>>) dst(%dma_wait3A_492 : memref<128x16xf32, #tpu.memory_space<vmem>>)
    %mul3A_499 = arith.constant 3200 : i32
    %mul3A_500 = arith.muli %add3A, %mul3A_499 : i32
    "tpu.region"() ({
      %run_scoped3A = tpu.sem_alloc : memref<!tpu.dma_semaphore, #tpu.memory_space<semaphore_mem>>
      %dma_start3A_501 = arith.constant 0 : i32
      %dma_start3A_502 = tpu.memref_slice %arg4[%mul3A_500, %dma_start3A_501] : memref<102400x16xf32, #tpu.memory_space<hbm>> -> memref<3200x16xf32, #tpu.memory_space<hbm>>
      %dma_start3A_503 = arith.constant 0 : i32
      %dma_start3A_504 = tpu.memref_slice %arg4[%mul3A_500, %dma_start3A_503] : memref<102400x16xf32, #tpu.memory_space<hbm>> -> memref<3200x16xf32, #tpu.memory_space<hbm>>
      tpu.enqueue_dma source(%arg6 : memref<3200x16xf32, #tpu.memory_space<vmem>>) target(%dma_start3A_504 : memref<3200x16xf32, #tpu.memory_space<hbm>>) target_semaphore(%run_scoped3A : memref<!tpu.dma_semaphore, #tpu.memory_space<semaphore_mem>>)
      %dma_wait3A_505 = arith.constant 0 : i32
      %dma_wait3A_506 = tpu.memref_slice %arg4[%mul3A_500, %dma_wait3A_505] : memref<102400x16xf32, #tpu.memory_space<hbm>> -> memref<3200x16xf32, #tpu.memory_space<hbm>>
      %dma_wait3A_507 = arith.constant 0 : i32
      %dma_wait3A_508 = tpu.memref_slice %arg4[%mul3A_500, %dma_wait3A_507] : memref<102400x16xf32, #tpu.memory_space<hbm>> -> memref<3200x16xf32, #tpu.memory_space<hbm>>
      tpu.wait_dma2 semaphore(%run_scoped3A : memref<!tpu.dma_semaphore, #tpu.memory_space<semaphore_mem>>) src(%arg6 : memref<3200x16xf32, #tpu.memory_space<vmem>>) dst(%dma_wait3A_508 : memref<3200x16xf32, #tpu.memory_space<hbm>>)
      tpu.yield
    }) : () -> ()
    return
  }
}

module attributes {stable_mosaic.version = 14 : i64} {
  func.func @_encode_body(%arg0: i32, %arg1: memref<2000x209xf32, #tpu.memory_space<vmem>>, %arg2: memref<2000x6xf32, #tpu.memory_space<vmem>>, %arg3: memref<209x64xf32, #tpu.memory_space<vmem>>, %arg4: memref<1x64xf32, #tpu.memory_space<vmem>>, %arg5: memref<6x16xf32, #tpu.memory_space<vmem>>, %arg6: memref<1x16xf32, #tpu.memory_space<vmem>>, %arg7: memref<64x16xf32, #tpu.memory_space<vmem>>, %arg8: memref<64x16xf32, #tpu.memory_space<vmem>>, %arg9: memref<16x16xf32, #tpu.memory_space<vmem>>, %arg10: memref<1x16xf32, #tpu.memory_space<vmem>>, %arg11: memref<2000x16xf32, #tpu.memory_space<vmem>>, %arg12: memref<2000x16xf32, #tpu.memory_space<vmem>>) attributes {dimension_semantics = [#tpu.dimension_semantics<arbitrary>], iteration_bounds = array<i64: 50>, scalar_prefetch = 0 : i64, scratch_operands = 0 : i64, tpu.core_type = #tpu.core_type<tc>, window_params = [{transform_indices = @transform_0, window_bounds = array<i64: 2000, 209>}, {transform_indices = @transform_1, window_bounds = array<i64: 2000, 6>}, {pipeline_mode = #tpu.pipeline_mode<synchronous>, transform_indices = @transform_2, window_bounds = array<i64: 209, 64>}, {pipeline_mode = #tpu.pipeline_mode<synchronous>, transform_indices = @transform_3, window_bounds = array<i64: 1, 64>}, {pipeline_mode = #tpu.pipeline_mode<synchronous>, transform_indices = @transform_4, window_bounds = array<i64: 6, 16>}, {pipeline_mode = #tpu.pipeline_mode<synchronous>, transform_indices = @transform_5, window_bounds = array<i64: 1, 16>}, {pipeline_mode = #tpu.pipeline_mode<synchronous>, transform_indices = @transform_6, window_bounds = array<i64: 64, 16>}, {pipeline_mode = #tpu.pipeline_mode<synchronous>, transform_indices = @transform_7, window_bounds = array<i64: 64, 16>}, {pipeline_mode = #tpu.pipeline_mode<synchronous>, transform_indices = @transform_8, window_bounds = array<i64: 16, 16>}, {pipeline_mode = #tpu.pipeline_mode<synchronous>, transform_indices = @transform_9, window_bounds = array<i64: 1, 16>}, {transform_indices = @transform_10, window_bounds = array<i64: 2000, 16>}, {transform_indices = @transform_11, window_bounds = array<i64: 2000, 16>}]} {
    %get3A = arith.constant 0 : index
    %get3A_0 = arith.constant 0 : index
    %get3A_1 = vector.load %arg1[%get3A, %get3A_0] : memref<2000x209xf32, #tpu.memory_space<vmem>>, vector<2000x209xf32>
    %get3A_2 = arith.constant 0 : index
    %get3A_3 = arith.constant 0 : index
    %get3A_4 = vector.load %arg3[%get3A_2, %get3A_3] : memref<209x64xf32, #tpu.memory_space<vmem>>, vector<209x64xf32>
    %dot_general3A = arith.constant dense<0.000000e+00> : vector<2000x64xf32>
    %dot_general3A_5 = tpu.matmul %get3A_1, %get3A_4, %dot_general3A {dimension_numbers = #tpu.dot_dimension_numbers<[1], [0], [0], [1], [0, 0, 1, 1], [], []>, transpose_lhs_hint = false} : vector<2000x209xf32>, vector<209x64xf32>, vector<2000x64xf32> -> vector<2000x64xf32>
    %get3A_6 = arith.constant 0 : index
    %get3A_7 = arith.constant 0 : index
    %get3A_8 = vector.load %arg4[%get3A_6, %get3A_7] : memref<1x64xf32, #tpu.memory_space<vmem>>, vector<1x64xf32>
    %add3A = vector.broadcast %get3A_8 : vector<1x64xf32> to vector<2000x64xf32>
    %add3A_9 = arith.addf %dot_general3A_5, %add3A : vector<2000x64xf32>
    %max3A = arith.constant 0.000000e+00 : f32
    %max3A_10 = vector.broadcast %max3A : f32 to vector<2000x64xf32>
    %max3A_11 = arith.maximumf %add3A_9, %max3A_10 : vector<2000x64xf32>
    %lt3A = arith.constant 25 : i32
    %lt3A_12 = arith.cmpi slt, %arg0, %lt3A : i32
    %get3A_13 = arith.constant 0 : index
    %get3A_14 = arith.constant 0 : index
    %get3A_15 = vector.load %arg7[%get3A_13, %get3A_14] : memref<64x16xf32, #tpu.memory_space<vmem>>, vector<64x16xf32>
    %get3A_16 = arith.constant 0 : index
    %get3A_17 = arith.constant 0 : index
    %get3A_18 = vector.load %arg8[%get3A_16, %get3A_17] : memref<64x16xf32, #tpu.memory_space<vmem>>, vector<64x16xf32>
    %select_n3A = arith.select %lt3A_12, %get3A_15, %get3A_18 : vector<64x16xf32>
    %dot_general3A_19 = arith.constant dense<0.000000e+00> : vector<2000x16xf32>
    %dot_general3A_20 = tpu.matmul %max3A_11, %select_n3A, %dot_general3A_19 {dimension_numbers = #tpu.dot_dimension_numbers<[1], [0], [0], [1], [0, 0, 1, 1], [], []>, transpose_lhs_hint = false} : vector<2000x64xf32>, vector<64x16xf32>, vector<2000x16xf32> -> vector<2000x16xf32>
    %swap3A = arith.constant 0 : index
    %swap3A_21 = arith.constant 0 : index
    %swap3A_22 = vector.load %arg11[%swap3A, %swap3A_21] : memref<2000x16xf32, #tpu.memory_space<vmem>>, vector<2000x16xf32>
    tpu.vector_store %arg11[%swap3A, %swap3A_21], %dot_general3A_20 {strides = array<i32>} : memref<2000x16xf32, #tpu.memory_space<vmem>>, vector<2000x16xf32>,
    %get3A_23 = arith.constant 0 : index
    %get3A_24 = arith.constant 0 : index
    %get3A_25 = vector.load %arg2[%get3A_23, %get3A_24] : memref<2000x6xf32, #tpu.memory_space<vmem>>, vector<2000x6xf32>
    %get3A_26 = arith.constant 0 : index
    %get3A_27 = arith.constant 0 : index
    %get3A_28 = vector.load %arg5[%get3A_26, %get3A_27] : memref<6x16xf32, #tpu.memory_space<vmem>>, vector<6x16xf32>
    %dot_general3A_29 = arith.constant dense<0.000000e+00> : vector<2000x16xf32>
    %dot_general3A_30 = tpu.matmul %get3A_25, %get3A_28, %dot_general3A_29 {dimension_numbers = #tpu.dot_dimension_numbers<[1], [0], [0], [1], [0, 0, 1, 1], [], []>, transpose_lhs_hint = false} : vector<2000x6xf32>, vector<6x16xf32>, vector<2000x16xf32> -> vector<2000x16xf32>
    %get3A_31 = arith.constant 0 : index
    %get3A_32 = arith.constant 0 : index
    %get3A_33 = vector.load %arg6[%get3A_31, %get3A_32] : memref<1x16xf32, #tpu.memory_space<vmem>>, vector<1x16xf32>
    %add3A_34 = vector.broadcast %get3A_33 : vector<1x16xf32> to vector<2000x16xf32>
    %add3A_35 = arith.addf %dot_general3A_30, %add3A_34 : vector<2000x16xf32>
    %max3A_36 = arith.constant 0.000000e+00 : f32
    %max3A_37 = vector.broadcast %max3A_36 : f32 to vector<2000x16xf32>
    %max3A_38 = arith.maximumf %add3A_35, %max3A_37 : vector<2000x16xf32>
    %get3A_39 = arith.constant 0 : index
    %get3A_40 = arith.constant 0 : index
    %get3A_41 = vector.load %arg9[%get3A_39, %get3A_40] : memref<16x16xf32, #tpu.memory_space<vmem>>, vector<16x16xf32>
    %dot_general3A_42 = arith.constant dense<0.000000e+00> : vector<2000x16xf32>
    %dot_general3A_43 = tpu.matmul %max3A_38, %get3A_41, %dot_general3A_42 {dimension_numbers = #tpu.dot_dimension_numbers<[1], [0], [0], [1], [0, 0, 1, 1], [], []>, transpose_lhs_hint = false} : vector<2000x16xf32>, vector<16x16xf32>, vector<2000x16xf32> -> vector<2000x16xf32>
    %get3A_44 = arith.constant 0 : index
    %get3A_45 = arith.constant 0 : index
    %get3A_46 = vector.load %arg10[%get3A_44, %get3A_45] : memref<1x16xf32, #tpu.memory_space<vmem>>, vector<1x16xf32>
    %add3A_47 = vector.broadcast %get3A_46 : vector<1x16xf32> to vector<2000x16xf32>
    %add3A_48 = arith.addf %dot_general3A_43, %add3A_47 : vector<2000x16xf32>
    %swap3A_49 = arith.constant 0 : index
    %swap3A_50 = arith.constant 0 : index
    %swap3A_51 = vector.load %arg12[%swap3A_49, %swap3A_50] : memref<2000x16xf32, #tpu.memory_space<vmem>>, vector<2000x16xf32>
    tpu.vector_store %arg12[%swap3A_49, %swap3A_50], %add3A_48 {strides = array<i32>} : memref<2000x16xf32, #tpu.memory_space<vmem>>, vector<2000x16xf32>,
    return
  }
  func.func @transform_0(%arg0: i32) -> (i32, i32) {
    %c0_i32 = arith.constant 0 : i32
    %c0_i32_0 = arith.constant 0 : i32
    return %arg0, %c0_i32 : i32, i32
  }
  func.func @transform_1(%arg0: i32) -> (i32, i32) {
    %c0_i32 = arith.constant 0 : i32
    %c0_i32_0 = arith.constant 0 : i32
    return %arg0, %c0_i32 : i32, i32
  }
  func.func @transform_2(%arg0: i32) -> (i32, i32) {
    %c0_i32 = arith.constant 0 : i32
    %c0_i32_0 = arith.constant 0 : i32
    %c0_i32_1 = arith.constant 0 : i32
    return %c0_i32, %c0_i32_0 : i32, i32
  }
  func.func @transform_3(%arg0: i32) -> (i32, i32) {
    %c0_i32 = arith.constant 0 : i32
    %c0_i32_0 = arith.constant 0 : i32
    %c0_i32_1 = arith.constant 0 : i32
    return %c0_i32, %c0_i32_0 : i32, i32
  }
  func.func @transform_4(%arg0: i32) -> (i32, i32) {
    %c0_i32 = arith.constant 0 : i32
    %c0_i32_0 = arith.constant 0 : i32
    %c0_i32_1 = arith.constant 0 : i32
    return %c0_i32, %c0_i32_0 : i32, i32
  }
  func.func @transform_5(%arg0: i32) -> (i32, i32) {
    %c0_i32 = arith.constant 0 : i32
    %c0_i32_0 = arith.constant 0 : i32
    %c0_i32_1 = arith.constant 0 : i32
    return %c0_i32, %c0_i32_0 : i32, i32
  }
  func.func @transform_6(%arg0: i32) -> (i32, i32) {
    %c0_i32 = arith.constant 0 : i32
    %c0_i32_0 = arith.constant 0 : i32
    %c0_i32_1 = arith.constant 0 : i32
    return %c0_i32, %c0_i32_0 : i32, i32
  }
  func.func @transform_7(%arg0: i32) -> (i32, i32) {
    %c0_i32 = arith.constant 0 : i32
    %c0_i32_0 = arith.constant 0 : i32
    %c0_i32_1 = arith.constant 0 : i32
    return %c0_i32, %c0_i32_0 : i32, i32
  }
  func.func @transform_8(%arg0: i32) -> (i32, i32) {
    %c0_i32 = arith.constant 0 : i32
    %c0_i32_0 = arith.constant 0 : i32
    %c0_i32_1 = arith.constant 0 : i32
    return %c0_i32, %c0_i32_0 : i32, i32
  }
  func.func @transform_9(%arg0: i32) -> (i32, i32) {
    %c0_i32 = arith.constant 0 : i32
    %c0_i32_0 = arith.constant 0 : i32
    %c0_i32_1 = arith.constant 0 : i32
    return %c0_i32, %c0_i32_0 : i32, i32
  }
  func.func @transform_10(%arg0: i32) -> (i32, i32) {
    %c0_i32 = arith.constant 0 : i32
    %c0_i32_0 = arith.constant 0 : i32
    return %arg0, %c0_i32 : i32, i32
  }
  func.func @transform_11(%arg0: i32) -> (i32, i32) {
    %c0_i32 = arith.constant 0 : i32
    %c0_i32_0 = arith.constant 0 : i32
    return %arg0, %c0_i32 : i32, i32
  }
}

module attributes {stable_mosaic.version = 14 : i64} {
  func.func @_classifier_body(%arg0: i32, %arg1: i32, %arg2: memref<2000x16xf32, #tpu.memory_space<vmem>>, %arg3: memref<2000x32xf32, #tpu.memory_space<vmem>>, %arg4: memref<2000x32xf32, #tpu.memory_space<vmem>>, %arg5: memref<32x128xf32, #tpu.memory_space<vmem>>, %arg6: memref<1x128xf32, #tpu.memory_space<vmem>>, %arg7: memref<128x64xf32, #tpu.memory_space<vmem>>, %arg8: memref<1x64xf32, #tpu.memory_space<vmem>>, %arg9: memref<64x32xf32, #tpu.memory_space<vmem>>, %arg10: memref<1x32xf32, #tpu.memory_space<vmem>>, %arg11: memref<32x3xf32, #tpu.memory_space<vmem>>, %arg12: memref<1x3xf32, #tpu.memory_space<vmem>>, %arg13: memref<2000x3xf32, #tpu.memory_space<vmem>>, %arg14: memref<50000x128xf32, #tpu.memory_space<vmem>>, %arg15: memref<50000x64xf32, #tpu.memory_space<vmem>>, %arg16: memref<8x128xf32, #tpu.memory_space<vmem>>, %arg17: memref<8x64xf32, #tpu.memory_space<vmem>>, %arg18: memref<8x32xf32, #tpu.memory_space<vmem>>) attributes {dimension_semantics = [#tpu.dimension_semantics<arbitrary>, #tpu.dimension_semantics<arbitrary>], iteration_bounds = array<i64: 4, 25>, scalar_prefetch = 0 : i64, scratch_operands = 5 : i64, tpu.core_type = #tpu.core_type<tc>, window_params = [{transform_indices = @transform_0, window_bounds = array<i64: 2000, 16>}, {transform_indices = @transform_1, window_bounds = array<i64: 2000, 32>}, {transform_indices = @transform_2, window_bounds = array<i64: 2000, 32>}, {pipeline_mode = #tpu.pipeline_mode<synchronous>, transform_indices = @transform_3, window_bounds = array<i64: 32, 128>}, {pipeline_mode = #tpu.pipeline_mode<synchronous>, transform_indices = @transform_4, window_bounds = array<i64: 1, 128>}, {pipeline_mode = #tpu.pipeline_mode<synchronous>, transform_indices = @transform_5, window_bounds = array<i64: 128, 64>}, {pipeline_mode = #tpu.pipeline_mode<synchronous>, transform_indices = @transform_6, window_bounds = array<i64: 1, 64>}, {pipeline_mode = #tpu.pipeline_mode<synchronous>, transform_indices = @transform_7, window_bounds = array<i64: 64, 32>}, {pipeline_mode = #tpu.pipeline_mode<synchronous>, transform_indices = @transform_8, window_bounds = array<i64: 1, 32>}, {pipeline_mode = #tpu.pipeline_mode<synchronous>, transform_indices = @transform_9, window_bounds = array<i64: 32, 3>}, {pipeline_mode = #tpu.pipeline_mode<synchronous>, transform_indices = @transform_10, window_bounds = array<i64: 1, 3>}, {transform_indices = @transform_11, window_bounds = array<i64: 2000, 3>}]} {
    %mul3A = arith.constant 2000 : i32
    %mul3A_0 = arith.muli %arg1, %mul3A : i32
    %eq3A = arith.constant 0 : i32
    %eq3A_1 = arith.cmpi eq, %arg0, %eq3A : i32
    %eq3A_2 = arith.constant 0 : i32
    %eq3A_3 = arith.cmpi eq, %arg1, %eq3A_2 : i32
    %and3A = arith.andi %eq3A_1, %eq3A_3 : i1
    %convert_element_type3A = arith.extui %and3A : i1 to i32
    %cond3A = arith.constant 0 : i32
    %cond3A_4 = arith.cmpi ne, %convert_element_type3A, %cond3A : i32
    scf.if %cond3A_4 {
      %broadcast_in_dim3A = arith.constant 0.000000e+00 : f32
      %broadcast_in_dim3A_49 = vector.broadcast %broadcast_in_dim3A : f32 to vector<2x128xf32>
      %swap3A = arith.constant 0 : index
      %swap3A_50 = arith.constant 0 : index
      %swap3A_51 = vector.load %arg16[%swap3A, %swap3A_50] : memref<8x128xf32, #tpu.memory_space<vmem>>, vector<2x128xf32>
      tpu.vector_store %arg16[%swap3A, %swap3A_50], %broadcast_in_dim3A_49 {strides = array<i32>} : memref<8x128xf32, #tpu.memory_space<vmem>>, vector<2x128xf32>,
      %broadcast_in_dim3A_52 = arith.constant 0.000000e+00 : f32
      %broadcast_in_dim3A_53 = vector.broadcast %broadcast_in_dim3A_52 : f32 to vector<2x64xf32>
      %swap3A_54 = arith.constant 0 : index
      %swap3A_55 = arith.constant 0 : index
      %swap3A_56 = vector.load %arg17[%swap3A_54, %swap3A_55] : memref<8x64xf32, #tpu.memory_space<vmem>>, vector<2x64xf32>
      tpu.vector_store %arg17[%swap3A_54, %swap3A_55], %broadcast_in_dim3A_53 {strides = array<i32>} : memref<8x64xf32, #tpu.memory_space<vmem>>, vector<2x64xf32>,
      %broadcast_in_dim3A_57 = arith.constant 0.000000e+00 : f32
      %broadcast_in_dim3A_58 = vector.broadcast %broadcast_in_dim3A_57 : f32 to vector<2x32xf32>
      %swap3A_59 = arith.constant 0 : index
      %swap3A_60 = arith.constant 0 : index
      %swap3A_61 = vector.load %arg18[%swap3A_59, %swap3A_60] : memref<8x32xf32, #tpu.memory_space<vmem>>, vector<2x32xf32>
      tpu.vector_store %arg18[%swap3A_59, %swap3A_60], %broadcast_in_dim3A_58 {strides = array<i32>} : memref<8x32xf32, #tpu.memory_space<vmem>>, vector<2x32xf32>,
    } else {
    }
    %eq3A_5 = arith.constant 0 : i32
    %eq3A_6 = arith.cmpi eq, %arg0, %eq3A_5 : i32
    %convert_element_type3A_7 = arith.extui %eq3A_6 : i1 to i32
    %cond3A_8 = arith.constant 0 : i32
    %cond3A_9 = arith.cmpi ne, %convert_element_type3A_7, %cond3A_8 : i32
    scf.if %cond3A_9 {
      %get3A = arith.constant 0 : index
      %get3A_49 = arith.constant 0 : index
      %get3A_50 = vector.load %arg2[%get3A, %get3A_49] : memref<2000x16xf32, #tpu.memory_space<vmem>>, vector<2000x16xf32>
      %concatenate3A = tpu.concatenate %get3A_50, %get3A_50 in 1 : vector<2000x16xf32>, vector<2000x16xf32> -> vector<2000x32xf32>
      %get3A_51 = arith.constant 0 : index
      %get3A_52 = arith.constant 0 : index
      %get3A_53 = vector.load %arg3[%get3A_51, %get3A_52] : memref<2000x32xf32, #tpu.memory_space<vmem>>, vector<2000x32xf32>
      %add3A = arith.addf %concatenate3A, %get3A_53 : vector<2000x32xf32>
      %get3A_54 = arith.constant 0 : index
      %get3A_55 = arith.constant 0 : index
      %get3A_56 = vector.load %arg4[%get3A_54, %get3A_55] : memref<2000x32xf32, #tpu.memory_space<vmem>>, vector<2000x32xf32>
      %add3A_57 = arith.addf %add3A, %get3A_56 : vector<2000x32xf32>
      %max3A = arith.constant 0.000000e+00 : f32
      %max3A_58 = vector.broadcast %max3A : f32 to vector<2000x32xf32>
      %max3A_59 = arith.maximumf %add3A_57, %max3A_58 : vector<2000x32xf32>
      %get3A_60 = arith.constant 0 : index
      %get3A_61 = arith.constant 0 : index
      %get3A_62 = vector.load %arg5[%get3A_60, %get3A_61] : memref<32x128xf32, #tpu.memory_space<vmem>>, vector<32x128xf32>
      %dot_general3A = arith.constant dense<0.000000e+00> : vector<2000x128xf32>
      %dot_general3A_63 = tpu.matmul %max3A_59, %get3A_62, %dot_general3A {dimension_numbers = #tpu.dot_dimension_numbers<[1], [0], [0], [1], [0, 0, 1, 1], [], []>, transpose_lhs_hint = false} : vector<2000x32xf32>, vector<32x128xf32>, vector<2000x128xf32> -> vector<2000x128xf32>
      %get3A_64 = arith.constant 0 : index
      %get3A_65 = arith.constant 0 : index
      %get3A_66 = vector.load %arg6[%get3A_64, %get3A_65] : memref<1x128xf32, #tpu.memory_space<vmem>>, vector<1x128xf32>
      %add3A_67 = vector.broadcast %get3A_66 : vector<1x128xf32> to vector<2000x128xf32>
      %add3A_68 = arith.addf %dot_general3A_63, %add3A_67 : vector<2000x128xf32>
      %swap3A = arith.index_cast %mul3A_0 : i32 to index
      %swap3A_69 = arith.constant 0 : index
      %swap3A_70 = vector.load %arg14[%swap3A, %swap3A_69] : memref<50000x128xf32, #tpu.memory_space<vmem>>, vector<2000x128xf32>
      tpu.vector_store %arg14[%swap3A, %swap3A_69], %add3A_68 {strides = array<i32>} : memref<50000x128xf32, #tpu.memory_space<vmem>>, vector<2000x128xf32>,
      %get3A_71 = arith.constant 0 : index
      %get3A_72 = arith.constant 0 : index
      %get3A_73 = vector.load %arg16[%get3A_71, %get3A_72] : memref<8x128xf32, #tpu.memory_space<vmem>>, vector<1x128xf32>
      %reduce_sum3A = arith.constant dense<0.000000e+00> : vector<128xf32>
      %reduce_sum3A_74 = vector.multi_reduction <add>, %add3A_68, %reduce_sum3A [0] : vector<2000x128xf32> to vector<128xf32>
      %broadcast_in_dim3A = vector.shape_cast %reduce_sum3A_74 : vector<128xf32> to vector<1x128xf32>
      %add3A_75 = arith.addf %get3A_73, %broadcast_in_dim3A : vector<1x128xf32>
      %swap3A_76 = arith.constant 0 : index
      %swap3A_77 = arith.constant 0 : index
      %swap3A_78 = vector.load %arg16[%swap3A_76, %swap3A_77] : memref<8x128xf32, #tpu.memory_space<vmem>>, vector<1x128xf32>
      tpu.vector_store %arg16[%swap3A_76, %swap3A_77], %add3A_75 {strides = array<i32>} : memref<8x128xf32, #tpu.memory_space<vmem>>, vector<1x128xf32>,
      %get3A_79 = arith.constant 1 : index
      %get3A_80 = arith.constant 0 : index
      %get3A_81 = vector.load %arg16[%get3A_79, %get3A_80] : memref<8x128xf32, #tpu.memory_space<vmem>>, vector<1x128xf32>
      %mul3A_82 = arith.mulf %add3A_68, %add3A_68 : vector<2000x128xf32>
      %reduce_sum3A_83 = arith.constant dense<0.000000e+00> : vector<128xf32>
      %reduce_sum3A_84 = vector.multi_reduction <add>, %mul3A_82, %reduce_sum3A_83 [0] : vector<2000x128xf32> to vector<128xf32>
      %broadcast_in_dim3A_85 = vector.shape_cast %reduce_sum3A_84 : vector<128xf32> to vector<1x128xf32>
      %add3A_86 = arith.addf %get3A_81, %broadcast_in_dim3A_85 : vector<1x128xf32>
      %swap3A_87 = arith.constant 1 : index
      %swap3A_88 = arith.constant 0 : index
      %swap3A_89 = vector.load %arg16[%swap3A_87, %swap3A_88] : memref<8x128xf32, #tpu.memory_space<vmem>>, vector<1x128xf32>
      tpu.vector_store %arg16[%swap3A_87, %swap3A_88], %add3A_86 {strides = array<i32>} : memref<8x128xf32, #tpu.memory_space<vmem>>, vector<1x128xf32>,
    } else {
    }
    %eq3A_10 = arith.constant 0 : i32
    %eq3A_11 = arith.cmpi eq, %arg0, %eq3A_10 : i32
    %eq3A_12 = arith.constant 24 : i32
    %eq3A_13 = arith.cmpi eq, %arg1, %eq3A_12 : i32
    %and3A_14 = arith.andi %eq3A_11, %eq3A_13 : i1
    %convert_element_type3A_15 = arith.extui %and3A_14 : i1 to i32
    %cond3A_16 = arith.constant 0 : i32
    %cond3A_17 = arith.cmpi ne, %convert_element_type3A_15, %cond3A_16 : i32
    scf.if %cond3A_17 {
      %get3A = arith.constant 0 : index
      %get3A_49 = arith.constant 0 : index
      %get3A_50 = vector.load %arg16[%get3A, %get3A_49] : memref<8x128xf32, #tpu.memory_space<vmem>>, vector<1x128xf32>
      %div3A = arith.constant 5.000000e+04 : f32
      %div3A_51 = vector.broadcast %div3A : f32 to vector<1x128xf32>
      %div3A_52 = arith.divf %get3A_50, %div3A_51 : vector<1x128xf32>
      %get3A_53 = arith.constant 1 : index
      %get3A_54 = arith.constant 0 : index
      %get3A_55 = vector.load %arg16[%get3A_53, %get3A_54] : memref<8x128xf32, #tpu.memory_space<vmem>>, vector<1x128xf32>
      %div3A_56 = arith.constant 5.000000e+04 : f32
      %div3A_57 = vector.broadcast %div3A_56 : f32 to vector<1x128xf32>
      %div3A_58 = arith.divf %get3A_55, %div3A_57 : vector<1x128xf32>
      %mul3A_59 = arith.mulf %div3A_52, %div3A_52 : vector<1x128xf32>
      %sub3A = arith.subf %div3A_58, %mul3A_59 : vector<1x128xf32>
      %swap3A = arith.constant 2 : index
      %swap3A_60 = arith.constant 0 : index
      %swap3A_61 = vector.load %arg16[%swap3A, %swap3A_60] : memref<8x128xf32, #tpu.memory_space<vmem>>, vector<1x128xf32>
      tpu.vector_store %arg16[%swap3A, %swap3A_60], %div3A_52 {strides = array<i32>} : memref<8x128xf32, #tpu.memory_space<vmem>>, vector<1x128xf32>,
      %add3A = arith.constant 9.99999974E-6 : f32
      %add3A_62 = vector.broadcast %add3A : f32 to vector<1x128xf32>
      %add3A_63 = arith.addf %sub3A, %add3A_62 : vector<1x128xf32>
      %rsqrt3A = math.rsqrt %add3A_63 : vector<1x128xf32>
      %swap3A_64 = arith.constant 3 : index
      %swap3A_65 = arith.constant 0 : index
      %swap3A_66 = vector.load %arg16[%swap3A_64, %swap3A_65] : memref<8x128xf32, #tpu.memory_space<vmem>>, vector<1x128xf32>
      tpu.vector_store %arg16[%swap3A_64, %swap3A_65], %rsqrt3A {strides = array<i32>} : memref<8x128xf32, #tpu.memory_space<vmem>>, vector<1x128xf32>,
    } else {
    }
    %eq3A_18 = arith.constant 1 : i32
    %eq3A_19 = arith.cmpi eq, %arg0, %eq3A_18 : i32
    %convert_element_type3A_20 = arith.extui %eq3A_19 : i1 to i32
    %cond3A_21 = arith.constant 0 : i32
    %cond3A_22 = arith.cmpi ne, %convert_element_type3A_20, %cond3A_21 : i32
    scf.if %cond3A_22 {
      %get3A = arith.index_cast %mul3A_0 : i32 to index
      %get3A_49 = arith.constant 0 : index
      %get3A_50 = vector.load %arg14[%get3A, %get3A_49] : memref<50000x128xf32, #tpu.memory_space<vmem>>, vector<2000x128xf32>
      %get3A_51 = arith.constant 2 : index
      %get3A_52 = arith.constant 0 : index
      %get3A_53 = vector.load %arg16[%get3A_51, %get3A_52] : memref<8x128xf32, #tpu.memory_space<vmem>>, vector<1x128xf32>
      %sub3A = vector.broadcast %get3A_53 : vector<1x128xf32> to vector<2000x128xf32>
      %sub3A_54 = arith.subf %get3A_50, %sub3A : vector<2000x128xf32>
      %get3A_55 = arith.constant 3 : index
      %get3A_56 = arith.constant 0 : index
      %get3A_57 = vector.load %arg16[%get3A_55, %get3A_56] : memref<8x128xf32, #tpu.memory_space<vmem>>, vector<1x128xf32>
      %mul3A_58 = vector.broadcast %get3A_57 : vector<1x128xf32> to vector<2000x128xf32>
      %mul3A_59 = arith.mulf %sub3A_54, %mul3A_58 : vector<2000x128xf32>
      %max3A = arith.constant 0.000000e+00 : f32
      %max3A_60 = vector.broadcast %max3A : f32 to vector<2000x128xf32>
      %max3A_61 = arith.maximumf %mul3A_59, %max3A_60 : vector<2000x128xf32>
      %get3A_62 = arith.constant 0 : index
      %get3A_63 = arith.constant 0 : index
      %get3A_64 = vector.load %arg7[%get3A_62, %get3A_63] : memref<128x64xf32, #tpu.memory_space<vmem>>, vector<128x64xf32>
      %dot_general3A = arith.constant dense<0.000000e+00> : vector<2000x64xf32>
      %dot_general3A_65 = tpu.matmul %max3A_61, %get3A_64, %dot_general3A {dimension_numbers = #tpu.dot_dimension_numbers<[1], [0], [0], [1], [0, 0, 1, 1], [], []>, transpose_lhs_hint = false} : vector<2000x128xf32>, vector<128x64xf32>, vector<2000x64xf32> -> vector<2000x64xf32>
      %get3A_66 = arith.constant 0 : index
      %get3A_67 = arith.constant 0 : index
      %get3A_68 = vector.load %arg8[%get3A_66, %get3A_67] : memref<1x64xf32, #tpu.memory_space<vmem>>, vector<1x64xf32>
      %add3A = vector.broadcast %get3A_68 : vector<1x64xf32> to vector<2000x64xf32>
      %add3A_69 = arith.addf %dot_general3A_65, %add3A : vector<2000x64xf32>
      %swap3A = arith.index_cast %mul3A_0 : i32 to index
      %swap3A_70 = arith.constant 0 : index
      %swap3A_71 = vector.load %arg15[%swap3A, %swap3A_70] : memref<50000x64xf32, #tpu.memory_space<vmem>>, vector<2000x64xf32>
      tpu.vector_store %arg15[%swap3A, %swap3A_70], %add3A_69 {strides = array<i32>} : memref<50000x64xf32, #tpu.memory_space<vmem>>, vector<2000x64xf32>,
      %get3A_72 = arith.constant 0 : index
      %get3A_73 = arith.constant 0 : index
      %get3A_74 = vector.load %arg17[%get3A_72, %get3A_73] : memref<8x64xf32, #tpu.memory_space<vmem>>, vector<1x64xf32>
      %reduce_sum3A = arith.constant dense<0.000000e+00> : vector<64xf32>
      %reduce_sum3A_75 = vector.multi_reduction <add>, %add3A_69, %reduce_sum3A [0] : vector<2000x64xf32> to vector<64xf32>
      %broadcast_in_dim3A = vector.shape_cast %reduce_sum3A_75 : vector<64xf32> to vector<1x64xf32>
      %add3A_76 = arith.addf %get3A_74, %broadcast_in_dim3A : vector<1x64xf32>
      %swap3A_77 = arith.constant 0 : index
      %swap3A_78 = arith.constant 0 : index
      %swap3A_79 = vector.load %arg17[%swap3A_77, %swap3A_78] : memref<8x64xf32, #tpu.memory_space<vmem>>, vector<1x64xf32>
      tpu.vector_store %arg17[%swap3A_77, %swap3A_78], %add3A_76 {strides = array<i32>} : memref<8x64xf32, #tpu.memory_space<vmem>>, vector<1x64xf32>,
      %get3A_80 = arith.constant 1 : index
      %get3A_81 = arith.constant 0 : index
      %get3A_82 = vector.load %arg17[%get3A_80, %get3A_81] : memref<8x64xf32, #tpu.memory_space<vmem>>, vector<1x64xf32>
      %mul3A_83 = arith.mulf %add3A_69, %add3A_69 : vector<2000x64xf32>
      %reduce_sum3A_84 = arith.constant dense<0.000000e+00> : vector<64xf32>
      %reduce_sum3A_85 = vector.multi_reduction <add>, %mul3A_83, %reduce_sum3A_84 [0] : vector<2000x64xf32> to vector<64xf32>
      %broadcast_in_dim3A_86 = vector.shape_cast %reduce_sum3A_85 : vector<64xf32> to vector<1x64xf32>
      %add3A_87 = arith.addf %get3A_82, %broadcast_in_dim3A_86 : vector<1x64xf32>
      %swap3A_88 = arith.constant 1 : index
      %swap3A_89 = arith.constant 0 : index
      %swap3A_90 = vector.load %arg17[%swap3A_88, %swap3A_89] : memref<8x64xf32, #tpu.memory_space<vmem>>, vector<1x64xf32>
      tpu.vector_store %arg17[%swap3A_88, %swap3A_89], %add3A_87 {strides = array<i32>} : memref<8x64xf32, #tpu.memory_space<vmem>>, vector<1x64xf32>,
    } else {
    }
    %eq3A_23 = arith.constant 1 : i32
    %eq3A_24 = arith.cmpi eq, %arg0, %eq3A_23 : i32
    %eq3A_25 = arith.constant 24 : i32
    %eq3A_26 = arith.cmpi eq, %arg1, %eq3A_25 : i32
    %and3A_27 = arith.andi %eq3A_24, %eq3A_26 : i1
    %convert_element_type3A_28 = arith.extui %and3A_27 : i1 to i32
    %cond3A_29 = arith.constant 0 : i32
    %cond3A_30 = arith.cmpi ne, %convert_element_type3A_28, %cond3A_29 : i32
    scf.if %cond3A_30 {
      %get3A = arith.constant 0 : index
      %get3A_49 = arith.constant 0 : index
      %get3A_50 = vector.load %arg17[%get3A, %get3A_49] : memref<8x64xf32, #tpu.memory_space<vmem>>, vector<1x64xf32>
      %div3A = arith.constant 5.000000e+04 : f32
      %div3A_51 = vector.broadcast %div3A : f32 to vector<1x64xf32>
      %div3A_52 = arith.divf %get3A_50, %div3A_51 : vector<1x64xf32>
      %get3A_53 = arith.constant 1 : index
      %get3A_54 = arith.constant 0 : index
      %get3A_55 = vector.load %arg17[%get3A_53, %get3A_54] : memref<8x64xf32, #tpu.memory_space<vmem>>, vector<1x64xf32>
      %div3A_56 = arith.constant 5.000000e+04 : f32
      %div3A_57 = vector.broadcast %div3A_56 : f32 to vector<1x64xf32>
      %div3A_58 = arith.divf %get3A_55, %div3A_57 : vector<1x64xf32>
      %mul3A_59 = arith.mulf %div3A_52, %div3A_52 : vector<1x64xf32>
      %sub3A = arith.subf %div3A_58, %mul3A_59 : vector<1x64xf32>
      %swap3A = arith.constant 2 : index
      %swap3A_60 = arith.constant 0 : index
      %swap3A_61 = vector.load %arg17[%swap3A, %swap3A_60] : memref<8x64xf32, #tpu.memory_space<vmem>>, vector<1x64xf32>
      tpu.vector_store %arg17[%swap3A, %swap3A_60], %div3A_52 {strides = array<i32>} : memref<8x64xf32, #tpu.memory_space<vmem>>, vector<1x64xf32>,
      %add3A = arith.constant 9.99999974E-6 : f32
      %add3A_62 = vector.broadcast %add3A : f32 to vector<1x64xf32>
      %add3A_63 = arith.addf %sub3A, %add3A_62 : vector<1x64xf32>
      %rsqrt3A = math.rsqrt %add3A_63 : vector<1x64xf32>
      %swap3A_64 = arith.constant 3 : index
      %swap3A_65 = arith.constant 0 : index
      %swap3A_66 = vector.load %arg17[%swap3A_64, %swap3A_65] : memref<8x64xf32, #tpu.memory_space<vmem>>, vector<1x64xf32>
      tpu.vector_store %arg17[%swap3A_64, %swap3A_65], %rsqrt3A {strides = array<i32>} : memref<8x64xf32, #tpu.memory_space<vmem>>, vector<1x64xf32>,
    } else {
    }
    %eq3A_31 = arith.constant 2 : i32
    %eq3A_32 = arith.cmpi eq, %arg0, %eq3A_31 : i32
    %convert_element_type3A_33 = arith.extui %eq3A_32 : i1 to i32
    %cond3A_34 = arith.constant 0 : i32
    %cond3A_35 = arith.cmpi ne, %convert_element_type3A_33, %cond3A_34 : i32
    scf.if %cond3A_35 {
      %get3A = arith.index_cast %mul3A_0 : i32 to index
      %get3A_49 = arith.constant 0 : index
      %get3A_50 = vector.load %arg15[%get3A, %get3A_49] : memref<50000x64xf32, #tpu.memory_space<vmem>>, vector<2000x64xf32>
      %get3A_51 = arith.constant 2 : index
      %get3A_52 = arith.constant 0 : index
      %get3A_53 = vector.load %arg17[%get3A_51, %get3A_52] : memref<8x64xf32, #tpu.memory_space<vmem>>, vector<1x64xf32>
      %sub3A = vector.broadcast %get3A_53 : vector<1x64xf32> to vector<2000x64xf32>
      %sub3A_54 = arith.subf %get3A_50, %sub3A : vector<2000x64xf32>
      %get3A_55 = arith.constant 3 : index
      %get3A_56 = arith.constant 0 : index
      %get3A_57 = vector.load %arg17[%get3A_55, %get3A_56] : memref<8x64xf32, #tpu.memory_space<vmem>>, vector<1x64xf32>
      %mul3A_58 = vector.broadcast %get3A_57 : vector<1x64xf32> to vector<2000x64xf32>
      %mul3A_59 = arith.mulf %sub3A_54, %mul3A_58 : vector<2000x64xf32>
      %max3A = arith.constant 0.000000e+00 : f32
      %max3A_60 = vector.broadcast %max3A : f32 to vector<2000x64xf32>
      %max3A_61 = arith.maximumf %mul3A_59, %max3A_60 : vector<2000x64xf32>
      %get3A_62 = arith.constant 0 : index
      %get3A_63 = arith.constant 0 : index
      %get3A_64 = vector.load %arg9[%get3A_62, %get3A_63] : memref<64x32xf32, #tpu.memory_space<vmem>>, vector<64x32xf32>
      %dot_general3A = arith.constant dense<0.000000e+00> : vector<2000x32xf32>
      %dot_general3A_65 = tpu.matmul %max3A_61, %get3A_64, %dot_general3A {dimension_numbers = #tpu.dot_dimension_numbers<[1], [0], [0], [1], [0, 0, 1, 1], [], []>, transpose_lhs_hint = false} : vector<2000x64xf32>, vector<64x32xf32>, vector<2000x32xf32> -> vector<2000x32xf32>
      %get3A_66 = arith.constant 0 : index
      %get3A_67 = arith.constant 0 : index
      %get3A_68 = vector.load %arg10[%get3A_66, %get3A_67] : memref<1x32xf32, #tpu.memory_space<vmem>>, vector<1x32xf32>
      %add3A = vector.broadcast %get3A_68 : vector<1x32xf32> to vector<2000x32xf32>
      %add3A_69 = arith.addf %dot_general3A_65, %add3A : vector<2000x32xf32>
      %swap3A = arith.index_cast %mul3A_0 : i32 to index
      %swap3A_70 = arith.constant 0 : index
      %swap3A_71 = vector.load %arg14[%swap3A, %swap3A_70] : memref<50000x128xf32, #tpu.memory_space<vmem>>, vector<2000x32xf32>
      tpu.vector_store %arg14[%swap3A, %swap3A_70], %add3A_69 {strides = array<i32>} : memref<50000x128xf32, #tpu.memory_space<vmem>>, vector<2000x32xf32>,
      %get3A_72 = arith.constant 0 : index
      %get3A_73 = arith.constant 0 : index
      %get3A_74 = vector.load %arg18[%get3A_72, %get3A_73] : memref<8x32xf32, #tpu.memory_space<vmem>>, vector<1x32xf32>
      %reduce_sum3A = arith.constant dense<0.000000e+00> : vector<32xf32>
      %reduce_sum3A_75 = vector.multi_reduction <add>, %add3A_69, %reduce_sum3A [0] : vector<2000x32xf32> to vector<32xf32>
      %broadcast_in_dim3A = vector.shape_cast %reduce_sum3A_75 : vector<32xf32> to vector<1x32xf32>
      %add3A_76 = arith.addf %get3A_74, %broadcast_in_dim3A : vector<1x32xf32>
      %swap3A_77 = arith.constant 0 : index
      %swap3A_78 = arith.constant 0 : index
      %swap3A_79 = vector.load %arg18[%swap3A_77, %swap3A_78] : memref<8x32xf32, #tpu.memory_space<vmem>>, vector<1x32xf32>
      tpu.vector_store %arg18[%swap3A_77, %swap3A_78], %add3A_76 {strides = array<i32>} : memref<8x32xf32, #tpu.memory_space<vmem>>, vector<1x32xf32>,
      %get3A_80 = arith.constant 1 : index
      %get3A_81 = arith.constant 0 : index
      %get3A_82 = vector.load %arg18[%get3A_80, %get3A_81] : memref<8x32xf32, #tpu.memory_space<vmem>>, vector<1x32xf32>
      %mul3A_83 = arith.mulf %add3A_69, %add3A_69 : vector<2000x32xf32>
      %reduce_sum3A_84 = arith.constant dense<0.000000e+00> : vector<32xf32>
      %reduce_sum3A_85 = vector.multi_reduction <add>, %mul3A_83, %reduce_sum3A_84 [0] : vector<2000x32xf32> to vector<32xf32>
      %broadcast_in_dim3A_86 = vector.shape_cast %reduce_sum3A_85 : vector<32xf32> to vector<1x32xf32>
      %add3A_87 = arith.addf %get3A_82, %broadcast_in_dim3A_86 : vector<1x32xf32>
      %swap3A_88 = arith.constant 1 : index
      %swap3A_89 = arith.constant 0 : index
      %swap3A_90 = vector.load %arg18[%swap3A_88, %swap3A_89] : memref<8x32xf32, #tpu.memory_space<vmem>>, vector<1x32xf32>
      tpu.vector_store %arg18[%swap3A_88, %swap3A_89], %add3A_87 {strides = array<i32>} : memref<8x32xf32, #tpu.memory_space<vmem>>, vector<1x32xf32>,
    } else {
    }
    %eq3A_36 = arith.constant 2 : i32
    %eq3A_37 = arith.cmpi eq, %arg0, %eq3A_36 : i32
    %eq3A_38 = arith.constant 24 : i32
    %eq3A_39 = arith.cmpi eq, %arg1, %eq3A_38 : i32
    %and3A_40 = arith.andi %eq3A_37, %eq3A_39 : i1
    %convert_element_type3A_41 = arith.extui %and3A_40 : i1 to i32
    %cond3A_42 = arith.constant 0 : i32
    %cond3A_43 = arith.cmpi ne, %convert_element_type3A_41, %cond3A_42 : i32
    scf.if %cond3A_43 {
      %get3A = arith.constant 0 : index
      %get3A_49 = arith.constant 0 : index
      %get3A_50 = vector.load %arg18[%get3A, %get3A_49] : memref<8x32xf32, #tpu.memory_space<vmem>>, vector<1x32xf32>
      %div3A = arith.constant 5.000000e+04 : f32
      %div3A_51 = vector.broadcast %div3A : f32 to vector<1x32xf32>
      %div3A_52 = arith.divf %get3A_50, %div3A_51 : vector<1x32xf32>
      %get3A_53 = arith.constant 1 : index
      %get3A_54 = arith.constant 0 : index
      %get3A_55 = vector.load %arg18[%get3A_53, %get3A_54] : memref<8x32xf32, #tpu.memory_space<vmem>>, vector<1x32xf32>
      %div3A_56 = arith.constant 5.000000e+04 : f32
      %div3A_57 = vector.broadcast %div3A_56 : f32 to vector<1x32xf32>
      %div3A_58 = arith.divf %get3A_55, %div3A_57 : vector<1x32xf32>
      %mul3A_59 = arith.mulf %div3A_52, %div3A_52 : vector<1x32xf32>
      %sub3A = arith.subf %div3A_58, %mul3A_59 : vector<1x32xf32>
      %swap3A = arith.constant 2 : index
      %swap3A_60 = arith.constant 0 : index
      %swap3A_61 = vector.load %arg18[%swap3A, %swap3A_60] : memref<8x32xf32, #tpu.memory_space<vmem>>, vector<1x32xf32>
      tpu.vector_store %arg18[%swap3A, %swap3A_60], %div3A_52 {strides = array<i32>} : memref<8x32xf32, #tpu.memory_space<vmem>>, vector<1x32xf32>,
      %add3A = arith.constant 9.99999974E-6 : f32
      %add3A_62 = vector.broadcast %add3A : f32 to vector<1x32xf32>
      %add3A_63 = arith.addf %sub3A, %add3A_62 : vector<1x32xf32>
      %rsqrt3A = math.rsqrt %add3A_63 : vector<1x32xf32>
      %swap3A_64 = arith.constant 3 : index
      %swap3A_65 = arith.constant 0 : index
      %swap3A_66 = vector.load %arg18[%swap3A_64, %swap3A_65] : memref<8x32xf32, #tpu.memory_space<vmem>>, vector<1x32xf32>
      tpu.vector_store %arg18[%swap3A_64, %swap3A_65], %rsqrt3A {strides = array<i32>} : memref<8x32xf32, #tpu.memory_space<vmem>>, vector<1x32xf32>,
    } else {
    }
    %eq3A_44 = arith.constant 3 : i32
    %eq3A_45 = arith.cmpi eq, %arg0, %eq3A_44 : i32
    %convert_element_type3A_46 = arith.extui %eq3A_45 : i1 to i32
    %cond3A_47 = arith.constant 0 : i32
    %cond3A_48 = arith.cmpi ne, %convert_element_type3A_46, %cond3A_47 : i32
    scf.if %cond3A_48 {
      %get3A = arith.index_cast %mul3A_0 : i32 to index
      %get3A_49 = arith.constant 0 : index
      %get3A_50 = vector.load %arg14[%get3A, %get3A_49] : memref<50000x128xf32, #tpu.memory_space<vmem>>, vector<2000x32xf32>
      %get3A_51 = arith.constant 2 : index
      %get3A_52 = arith.constant 0 : index
      %get3A_53 = vector.load %arg18[%get3A_51, %get3A_52] : memref<8x32xf32, #tpu.memory_space<vmem>>, vector<1x32xf32>
      %sub3A = vector.broadcast %get3A_53 : vector<1x32xf32> to vector<2000x32xf32>
      %sub3A_54 = arith.subf %get3A_50, %sub3A : vector<2000x32xf32>
      %get3A_55 = arith.constant 3 : index
      %get3A_56 = arith.constant 0 : index
      %get3A_57 = vector.load %arg18[%get3A_55, %get3A_56] : memref<8x32xf32, #tpu.memory_space<vmem>>, vector<1x32xf32>
      %mul3A_58 = vector.broadcast %get3A_57 : vector<1x32xf32> to vector<2000x32xf32>
      %mul3A_59 = arith.mulf %sub3A_54, %mul3A_58 : vector<2000x32xf32>
      %max3A = arith.constant 0.000000e+00 : f32
      %max3A_60 = vector.broadcast %max3A : f32 to vector<2000x32xf32>
      %max3A_61 = arith.maximumf %mul3A_59, %max3A_60 : vector<2000x32xf32>
      %get3A_62 = arith.constant 0 : index
      %get3A_63 = arith.constant 0 : index
      %get3A_64 = vector.load %arg11[%get3A_62, %get3A_63] : memref<32x3xf32, #tpu.memory_space<vmem>>, vector<32x3xf32>
      %dot_general3A = arith.constant dense<0.000000e+00> : vector<2000x3xf32>
      %dot_general3A_65 = tpu.matmul %max3A_61, %get3A_64, %dot_general3A {dimension_numbers = #tpu.dot_dimension_numbers<[1], [0], [0], [1], [0, 0, 1, 1], [], []>, transpose_lhs_hint = false} : vector<2000x32xf32>, vector<32x3xf32>, vector<2000x3xf32> -> vector<2000x3xf32>
      %get3A_66 = arith.constant 0 : index
      %get3A_67 = arith.constant 0 : index
      %get3A_68 = vector.load %arg12[%get3A_66, %get3A_67] : memref<1x3xf32, #tpu.memory_space<vmem>>, vector<1x3xf32>
      %add3A = vector.broadcast %get3A_68 : vector<1x3xf32> to vector<2000x3xf32>
      %add3A_69 = arith.addf %dot_general3A_65, %add3A : vector<2000x3xf32>
      %swap3A = arith.constant 0 : index
      %swap3A_70 = arith.constant 0 : index
      %swap3A_71 = vector.load %arg13[%swap3A, %swap3A_70] : memref<2000x3xf32, #tpu.memory_space<vmem>>, vector<2000x3xf32>
      tpu.vector_store %arg13[%swap3A, %swap3A_70], %add3A_69 {strides = array<i32>} : memref<2000x3xf32, #tpu.memory_space<vmem>>, vector<2000x3xf32>,
    } else {
    }
    return
  }
  func.func @transform_0(%arg0: i32, %arg1: i32) -> (i32, i32) {
    %eq3A = arith.constant 0 : i32
    %eq3A_0 = arith.cmpi eq, %arg0, %eq3A : i32
    %jit3A = arith.constant 0 : i32
    %select_n3A = arith.select %eq3A_0, %arg1, %jit3A : i32
    %c0_i32 = arith.constant 0 : i32
    %c0_i32_1 = arith.constant 0 : i32
    return %select_n3A, %c0_i32 : i32, i32
  }
  func.func @transform_1(%arg0: i32, %arg1: i32) -> (i32, i32) {
    %eq3A = arith.constant 0 : i32
    %eq3A_0 = arith.cmpi eq, %arg0, %eq3A : i32
    %jit3A = arith.constant 0 : i32
    %select_n3A = arith.select %eq3A_0, %arg1, %jit3A : i32
    %c0_i32 = arith.constant 0 : i32
    %c0_i32_1 = arith.constant 0 : i32
    return %select_n3A, %c0_i32 : i32, i32
  }
  func.func @transform_2(%arg0: i32, %arg1: i32) -> (i32, i32) {
    %eq3A = arith.constant 0 : i32
    %eq3A_0 = arith.cmpi eq, %arg0, %eq3A : i32
    %jit3A = arith.constant 0 : i32
    %select_n3A = arith.select %eq3A_0, %arg1, %jit3A : i32
    %c0_i32 = arith.constant 0 : i32
    %c0_i32_1 = arith.constant 0 : i32
    return %select_n3A, %c0_i32 : i32, i32
  }
  func.func @transform_3(%arg0: i32, %arg1: i32) -> (i32, i32) {
    %c0_i32 = arith.constant 0 : i32
    %c0_i32_0 = arith.constant 0 : i32
    %c0_i32_1 = arith.constant 0 : i32
    return %c0_i32, %c0_i32_0 : i32, i32
  }
  func.func @transform_4(%arg0: i32, %arg1: i32) -> (i32, i32) {
    %c0_i32 = arith.constant 0 : i32
    %c0_i32_0 = arith.constant 0 : i32
    %c0_i32_1 = arith.constant 0 : i32
    return %c0_i32, %c0_i32_0 : i32, i32
  }
  func.func @transform_5(%arg0: i32, %arg1: i32) -> (i32, i32) {
    %c0_i32 = arith.constant 0 : i32
    %c0_i32_0 = arith.constant 0 : i32
    %c0_i32_1 = arith.constant 0 : i32
    return %c0_i32, %c0_i32_0 : i32, i32
  }
  func.func @transform_6(%arg0: i32, %arg1: i32) -> (i32, i32) {
    %c0_i32 = arith.constant 0 : i32
    %c0_i32_0 = arith.constant 0 : i32
    %c0_i32_1 = arith.constant 0 : i32
    return %c0_i32, %c0_i32_0 : i32, i32
  }
  func.func @transform_7(%arg0: i32, %arg1: i32) -> (i32, i32) {
    %c0_i32 = arith.constant 0 : i32
    %c0_i32_0 = arith.constant 0 : i32
    %c0_i32_1 = arith.constant 0 : i32
    return %c0_i32, %c0_i32_0 : i32, i32
  }
  func.func @transform_8(%arg0: i32, %arg1: i32) -> (i32, i32) {
    %c0_i32 = arith.constant 0 : i32
    %c0_i32_0 = arith.constant 0 : i32
    %c0_i32_1 = arith.constant 0 : i32
    return %c0_i32, %c0_i32_0 : i32, i32
  }
  func.func @transform_9(%arg0: i32, %arg1: i32) -> (i32, i32) {
    %c0_i32 = arith.constant 0 : i32
    %c0_i32_0 = arith.constant 0 : i32
    %c0_i32_1 = arith.constant 0 : i32
    return %c0_i32, %c0_i32_0 : i32, i32
  }
  func.func @transform_10(%arg0: i32, %arg1: i32) -> (i32, i32) {
    %c0_i32 = arith.constant 0 : i32
    %c0_i32_0 = arith.constant 0 : i32
    %c0_i32_1 = arith.constant 0 : i32
    return %c0_i32, %c0_i32_0 : i32, i32
  }
  func.func @transform_11(%arg0: i32, %arg1: i32) -> (i32, i32) {
    %c0_i32 = arith.constant 0 : i32
    %c0_i32_0 = arith.constant 0 : i32
    return %arg1, %c0_i32 : i32, i32
  }
}

</mosaic_0001>

<sc_bundles>
// kernel: kernel.5.cloned.1.call-start
scs
__scs_entry_jumppad:
0x0: {  	(pc) =	sbr.rel $0x88, $3  }
0x1: {  	(tag) =	ssettag $0x0;
	lr =	simm.s32 $0x1  }
0x2: {  	[smem:$0x3F90] =	sst lr;
	_ =	strace $0xD0000000  }
0x3: {  	_ = 	snop  }
0x4: {  	_ = 	snop  }
0x5: {  	_ = 	snop  }
0x6: {  	_ = 	snop  }
0x7: {  	_ = 	snop  }
__scs_overlays_trampoline_lowered:
0x8: {  	[smem:$0x3F9F] =	sst s0  }
0x9: {  	[smem:$0x3FA0] =	sst s1  }
0xa: {  	[smem:$0x3FA1] =	sst s2  }
0xb: {  	[smem:$0x3FA2] =	sst s3  }
0xc: {  	[smem:$0x3FA3] =	sst s4  }
0xd: {  	[smem:$0x3FA4] =	sst s5  }
0xe: {  	[smem:$0x3FA5] =	sst s6  }
0xf: {  	[smem:$0x3FA6] =	sst s7  }
0x10: {  	[smem:$0x3FA7] =	sst s8  }
0x11: {  	[smem:$0x3FA8] =	sst s9;
	s0 =	simm.s32 @!p0 $0x0  }
0x12: {  	s1 =	sld [smem:$0x3F8E];
	s0 =	simm.s32 @p0 $0x1  }
0x13: {  	[smem:$0x3FA9] =	sst s0;
	s0 =	simm.s32 @!p1 $0x0  }
0x14: {  	s2 =	sld [smem:$0x3F8D];
	s0 =	simm.s32 @p1 $0x1  }
0x15: {  	[smem:$0x3FAA] =	sst s0;
	s0 =	simm.s32 @!p2 $0x0  }
0x16: {  	s3 =	sld [smem:$0x3FDB];
	s0 =	simm.s32 @p2 $0x1  }
0x17: {  	s4 =	simm.s32 $0x1BF5;
	[smem:$0x3FAC] =	sst s0  }
0x18: {  	s0 =	sld [smem:$0x3F8F];
	_ =	swait.ge [sflag:s4], $0x0  }
0x19: {  	s7 =	sld [smem:$0x3F90]  }
0x1a: {  	s8 =	sadd.s32 $0xFFFFE003, lr  }
0x1b: {  	s9 =	sadd.s32 $0xFFFFFEF7, lr;
	s5 =	simm.s32 $0xFFFFFFFF;
	p2 =	slt.u32 s8, $0xFFFFF086  }
0x1c: {  	p1 =	slt.u32 s9, $0xF7A;
	s5 =	simm.s32 @!p2 $0x0  }
0x1d: {  	s5 =	simm.s32 @p1 $0x1;
	p0 =	seq.s32 s7, s2  }
0x1e: {  	s7 =	smul.u32 @!p0 $0xF7A, s2;
	p2 =	seq.s32 @!p0 s5, $0x0  }
0x1f: {  	s9 =	smul.u32 $0xF7A, s1;
	s8 =	simm.s32 @!p0 $0x1BF5;
	p2 =	por !p2, p0  }
0x20: {  	[sflag:s8] =	ssyncset.s32 @!p0 $0xFFFFF086;
	s6 =	sadd.s32 @!p0 s3, s7;
	s7 =	simm.s32 @!p0 $0x108  }
0x21: {  	s3 =	sadd.s32 s3, s9;
	s6 =	sadd.s32 @!p0 $0x88, s6;
	s7 =	simm.s32 @p2 $0x1082  }
0x22: {  	[simem:s7], [sflag:s8] =	dma.local @!p0 [hbm:s6], $0xF7A  }
0x23: {  	s9 =	sor.u32 $0xD0000000, s2;
	s6 =	simm.s32 $0x108;
	_ =	swait.ge @!p0 [sflag:s8], $0x0  }
0x24: {  	s3 =	sadd.s32 $0x88, s3;
	s6 =	simm.s32 @!p1 $0x1082;
	[sflag:s4] =	ssyncset.s32 $0xFFFFF086  }
0x25: {  	[simem:s6], [sflag:s4] =	dma.local [hbm:s3], $0xF7A  }
0x26: {  	[smem:$0x3F90] =	sst s1;
	(tag) =	ssettag s2;
	_ =	strace s9  }
0x27: {  	s1 =	sld [smem:$0x3FA0]  }
0x28: {  	s2 =	sld [smem:$0x3FA1]  }
0x29: {  	s4 =	sld [smem:$0x3FA3]  }
0x2a: {  	p0 =	seq.s32 s5, $0x0;
	s5 =	sld [smem:$0x3FA4]  }
0x2b: {  	s6 =	sld [smem:$0x3FA5]  }
0x2c: {  	s7 =	sld [smem:$0x3FA6]  }
0x2d: {  	s3 =	simm.s32 $0x108;
	s8 =	sld [smem:$0x3FA7]  }
0x2e: {  	s3 =	simm.s32 @!p0 $0x1082;
	s9 =	sld [smem:$0x3FA8]  }
0x2f: {  	lr =	sadd.s32 s0, s3;
	s0 =	sld [smem:$0x3F9F]  }
0x30: {  	s3 =	sld [smem:$0x3FA2]  }
0x31: {  	[smem:$0x3FAB] =	sst s10  }
0x32: {  	s10 =	sld [smem:$0x3FA9];
	_ =	sdelay $0x3  }
0x33: {  	p0 =	seq.s32 s10, $0x1;
	s10 =	sld [smem:$0x3FAB];
	_ =	sdelay $0x3  }
0x34: {  	[smem:$0x3FAB] =	sst s10  }
0x35: {  	s10 =	sld [smem:$0x3FAA];
	_ =	sdelay $0x3  }
0x36: {  	p1 =	seq.s32 s10, $0x1;
	s10 =	sld [smem:$0x3FAB];
	_ =	sdelay $0x3  }
0x37: {  	[smem:$0x3FAB] =	sst s10  }
0x38: {  	s10 =	sld [smem:$0x3FAC]  }
0x39: {  	_ = 	snop;
	(pc) =	sbr.ind lr, $3  }
0x3a: {  	_ = 	snop  }
0x3b: {  	_ = 	snop  }
0x3c: {  	p2 =	seq.s32 s10, $0x1;
	s10 =	sld [smem:$0x3FAB]  }
0x3d: {  	_ =	shalt  }
0x3e: {  	_ =	shalt  }
0x3f: {  	_ =	shalt  }
0x40: {  	_ =	shalt  }
0x41: {  	_ =	shalt  }
0x42: {  	_ =	shalt  }
0x43: {  	_ =	shalt  }
0x44: {  	_ =	shalt  }
0x45: {  	_ =	shalt  }
0x46: {  	_ =	shalt  }
0x47: {  	_ =	shalt  }
0x48: {  	_ =	shalt  }
0x49: {  	_ =	shalt  }
0x4a: {  	_ =	shalt  }
0x4b: {  	_ =	shalt  }
0x4c: {  	_ =	shalt  }
0x4d: {  	_ =	shalt  }
0x4e: {  	_ =	shalt  }
0x4f: {  	_ =	shalt  }
0x50: {  	_ =	shalt  }
0x51: {  	_ =	shalt  }
0x52: {  	_ =	shalt  }
0x53: {  	_ =	shalt  }
0x54: {  	_ =	shalt  }
0x55: {  	_ =	shalt  }
0x56: {  	_ =	shalt  }
0x57: {  	_ =	shalt  }
0x58: {  	_ =	shalt  }
0x59: {  	_ =	shalt  }
0x5a: {  	_ =	shalt  }
0x5b: {  	_ =	shalt  }
0x5c: {  	_ =	shalt  }
0x5d: {  	_ =	shalt  }
0x5e: {  	_ =	shalt  }
0x5f: {  	_ =	shalt  }
0x60: {  	_ =	shalt  }
0x61: {  	_ =	shalt  }
0x62: {  	_ =	shalt  }
0x63: {  	_ =	shalt  }
0x64: {  	_ =	shalt  }
0x65: {  	_ =	shalt  }
0x66: {  	_ =	shalt  }
0x67: {  	_ =	shalt  }
0x68: {  	_ =	shalt  }
0x69: {  	_ =	shalt  }
0x6a: {  	_ =	shalt  }
0x6b: {  	_ =	shalt  }
0x6c: {  	_ =	shalt  }
0x6d: {  	_ =	shalt  }
0x6e: {  	_ =	shalt  }
0x6f: {  	_ =	shalt  }
0x70: {  	_ =	shalt  }
0x71: {  	_ =	shalt  }
0x72: {  	_ =	shalt  }
0x73: {  	_ =	shalt  }
0x74: {  	_ =	shalt  }
0x75: {  	_ =	shalt  }
0x76: {  	_ =	shalt  }
0x77: {  	_ =	shalt  }
0x78: {  	_ =	shalt  }
0x79: {  	_ =	shalt  }
0x7a: {  	_ =	shalt  }
0x7b: {  	_ =	shalt  }
0x7c: {  	_ =	shalt  }
0x7d: {  	_ =	shalt  }
0x7e: {  	_ =	shalt  }
0x7f: {  	_ =	shalt  }
0x80: {  	_ =	shalt  }
0x81: {  	_ =	shalt  }
0x82: {  	_ =	shalt  }
0x83: {  	_ =	shalt  }
0x84: {  	_ =	shalt  }
0x85: {  	_ =	shalt  }
0x86: {  	_ =	shalt  }
0x87: {  	_ =	shalt  }
.Lfunc_end0:
.L_simem_size_0:
called_computation_lowered:
.L_overlay_start_0:
0x88: {  	s2 =	sld [smem:$0x3FD9]  }
0x89: {  	s3 =	sld [smem:$0x3FFE];
	_ =	sdelay $0x1  }
0x8a: {  	s1 =	srdreg.scid  }
0x8b: {  	s0 =	sand.u32 $0x1, s1  }
0x8c: {  	s17 =	sshll.u32 s0, $0xA;
	s2 =	sadd.s32 s3, s2  }
0x8d: {  	s2 =	sadd.s32 s2, s17  }
0x8e: {  	[smem:$0x3FB7] =	sst s2  }
0x8f: {  	_ = 	snop  }
0x90: {  	s2 =	sld [smem:$0x3FD0];
	(tm) =	ssettm $0x1  }
0x91: {  	s18 =	sld [smem:$0x3FFB];
	_ =	sdelay $0x3  }
0x92: {  	_ =	strace s18  }
0x93: {  	s3 =	sld [smem:$0x3FFC];
	_ =	sdelay $0x3  }
0x94: {  	_ =	strace s3  }
0x95: {  	s3 =	sld [smem:$0x3FFD];
	_ =	sdelay $0x3  }
0x96: {  	_ =	strace s3  }
0x97: {  	_ =	strace $0x8FFFFFFF  }
0x98: {  	s19 =	sld [smem:$0x3FDB];
	_ =	sdelay $0x1  }
0x99: {  	s4 =	simm.s32 $_scs_section_size  }
0x9a: {  	s5 =	simm.s32 $_size__tile_overlayer_lowered;
	s6 =	simm.s32 $_tile_overlayer_lowered  }
0x9b: {  	s22 =	simm.s32 $0x1BFF;
	s21 =	sshll.u32 s6, $0x1;
	s3 =	sadd.s32 s4, s19  }
0x9c: {  	s7 =	simm.s32 $0x0;
	s20 =	sshll.u32 s5, $0x1;
	s5 =	sadd.s32 s21, s3  }
0x9d: {  	[timem:s7], [sflag:s22] =	dma.local [hbm:s5], s20  }
0x9e: {  	_ =	swait.ge [sflag:s22], s20  }
0x9f: {  	s4 =	ssub.s32 $0x0, s20;
	[sflag:s22] =	ssyncset.done $0x0  }
0xa0: {  	[sflag:s22] =	ssyncadd.s32 s4;
	_ =	sdelay $0x1  }
0xa1: {  	s23 =	simm.s32 $0x1B8B  }
0xa2: {  	_ =	swait.ge [sflag:s23], $0x1  }
0xa3: {  	[sflag:s23] =	ssyncset.done $0x0  }
0xa4: {  	s25 =	simm.s32 $0x1B8E;
	s24 =	sld [smem:$0x3FFE];
	[sflag:s23] =	ssyncadd.s32 $0xFFFFFFFF  }
0xa5: {  	s26 =	simm.s32 $execute0_lowered;
	[smem:$0x3FD2] =	sst s25  }
0xa6: {  	s5 =	sshll.u32 s26, $0x1;
	_ =	strace $0x80000046;
	[dreg:$0x1] =	wrdreg $0xFFFFFFFF  }
0xa7: {  	s28 =	simm.s32 $_size_execute0_lowered;
	s3 =	sadd.s32 s3, s5;
	[dreg:$0x0] =	wrdreg $0x0  }
0xa8: {  	s5 =	sshll.u32 s28, $0x1;
	[dreg:$0x2] =	wrdreg s3  }
0xa9: {  	[dreg:$0x3] =	wrdreg s5  }
0xaa: {  	[dreg:$0x4] =	wrdreg $0xC0  }
0xab: {  	_ =	task [dreg:s7], $0x5FFFF  }
0xac: {  	[dreg:$0x1] =	wrdreg $0xFFFFFFFF  }
0xad: {  	[dreg:$0x0] =	wrdreg $0x60  }
0xae: {  	[dreg:$0x2] =	wrdreg s24  }
0xaf: {  	[dreg:$0x3] =	wrdreg s2  }
0xb0: {  	[dreg:$0x4] =	wrdreg $0x9  }
0xb1: {  	_ =	task.clear_ibuf [dreg:s7], $0x5FFFF;
	_ =	strace $0x90000046  }
0xb2: {  	s29 =	simm.s32 $0x9;
	_ =	strace $0x80000048  }
0xb3: {  	_ =	swait.ge [sflag:s29], $0x1  }
0xb4: {  	[sflag:s29] =	ssyncadd.s32 $0xFFFFFFFF  }
0xb5: {  	_ =	strace $0x90000048  }
0xb6: {  	_ =	sfence  }
0xb7: {  	s30 =	sld [smem:$0x0];
	_ =	sdelay $0x2  }
0xb8: {  	s31 =	sshll.u32 s1, $0xD;
	s1 =	sshrl.u32 s1, $0x2  }
0xb9: {  	s3 =	sand.u32 $0x4000, s31;
	s1 =	sadd.s32 s1, s30  }
0xba: {  	s0 =	sor.u32 s3, s0;
	s1 =	sshll.u32 s1, $0x11  }
0xbb: {  	s0 =	sor.u32 s1, s0  }
0xbc: {  	s0 =	sadd.s32 $0x8F2B, s0  }
0xbd: {  	[sflag:s0] =	ssyncadd.remote.s32 $0x1  }
0xbe: {  	_ =	sfence.sel $0xFFFF  }
0xbf: {  	[dreg:$0x0] =	wrdreg $0xFFFFFFFF;
	(pc) =	sbr.abs _section_cstart, $3  }
0xc0: {  	[dreg:$0x1] =	wrdreg $0xFFFFFFFF  }
0xc1: {  	_ =	task.clear_ibuf [dreg:s7], $0x2FFFF;
	_ =	strace $0x9FFFFFFF  }
0xc2: {  	(tm) =	ssettm $0x7FFFFFFF  }
0xc3: {  	_ =	shalt  }
tec
execute0_lowered:
.L_overlay_start_1:
0x0: {  	(tag) =	ssettag $0x1  }
0x1: {  	s2 =	stileid.u32;
	s4 =	rddreg [dreg:$0x0]  }
0x2: {  	s3 =	rddreg [dreg:$0x1];
	s20 =	sshll.u32 s2, $0x1;
	s2 =	simm.s32 $0x0  }
0x3: {  	s22 =	simm.s32 $0x1480;
	[smem:$0x7FF] =	sst s2  }
0x4: {  	s23 =	simm.s32 $0x100;
	_ =	strace $0x80000047;
	[dreg:$0x5] =	wrdreg s22  }
0x5: {  	s24 =	simm.s32 $0x1C80;
	[dreg:$0x6] =	wrdreg s23  }
0x6: {  	s25 =	simm.s32 $0x180;
	[dreg:$0x7] =	wrdreg s24  }
0x7: {  	s26 =	simm.s32 $0x2480;
	[dreg:$0x8] =	wrdreg s25  }
0x8: {  	s6 =	simm.s32 $0x280;
	[dreg:$0x9] =	wrdreg s26  }
0x9: {  	s7 =	simm.s32 $0x3480;
	[dreg:$0xc] =	wrdreg s6  }
0xa: {  	s8 =	simm.s32 $0x300;
	[dreg:$0xd] =	wrdreg s7  }
0xb: {  	s9 =	simm.s32 $0x3C80;
	[dreg:$0xe] =	wrdreg s8  }
0xc: {  	s10 =	simm.s32 $0x380;
	[dreg:$0xf] =	wrdreg s9  }
0xd: {  	s11 =	simm.s32 $0x4480;
	[dreg:$0x10] =	wrdreg s10  }
0xe: {  	s12 =	simm.s32 $0x400;
	[dreg:$0x11] =	wrdreg s11  }
0xf: {  	s13 =	simm.s32 $0x4C80;
	[dreg:$0x12] =	wrdreg s12  }
0x10: {  	s14 =	simm.s32 $0x480;
	[dreg:$0x13] =	wrdreg s13  }
0x11: {  	s15 =	simm.s32 $0x5480;
	[dreg:$0x14] =	wrdreg s14  }
0x12: {  	s0 =	srdreg.scid;
	s16 =	simm.s32 $0x500;
	[dreg:$0x15] =	wrdreg s15  }
0x13: {  	s17 =	simm.s32 $0x5C80;
	s1 =	sand.u32 $0x1, s0;
	[dreg:$0x16] =	wrdreg s16  }
0x14: {  	s18 =	simm.s32 $0x580;
	s0 =	sor.u32 s1, s20;
	[dreg:$0x17] =	wrdreg s17  }
0x15: {  	s19 =	simm.s32 $0x6480;
	s5 =	smul.u32 $0x1900, s0;
	[dreg:$0x18] =	wrdreg s18  }
0x16: {  	s20 =	simm.s32 $0x600;
	s0 =	smul.u32 $0x190, s0;
	[dreg:$0x19] =	wrdreg s19  }
0x17: {  	[dreg:$0x1a] =	wrdreg s20;
	s23 =	simm.s32 $0x680  }
0x18: {  	[dreg:$0x1c] =	wrdreg s23;
	s0 =	sadd.s32 s3, s0  }
0x19: {  	s5 =	sadd.s32 s5, s4;
	s3 =	simm.s32 $0x200;
	[dreg:$0x3] =	wrdreg s0  }
0x1a: {  	s21 =	sadd.s32 $0x32A00, s5;
	[dreg:$0xa] =	wrdreg s3  }
0x1b: {  	s5 =	simm.s32 $0x2C80;
	[dreg:$0x4] =	wrdreg s21  }
0x1c: {  	[dreg:$0xb] =	wrdreg s5  }
0x1d: {  	s21 =	simm.s32 $0x6C80;
	s22 =	rddreg [dreg:$0x3]  }
0x1e: {  	s3 =	simm.s32 $0x2;
	[dreg:$0x1b] =	wrdreg s21  }
0x1f: {  	[tilespmem:s2], [sflag:$0x2] =	stream.linear.gather [hbm4b:s22+s2], $0xC80, $0x38;
	[tilespmem:$0xD480] =	vst v63  }
0x20: {  	_ =	swait.ge [sflag:s3], $0xC80  }
0x21: {  	s0 =	rddreg [dreg:$0x1b]  }
0x22: {  	s7 =	rddreg [dreg:$0x19]  }
0x23: {  	s8 =	rddreg [dreg:$0x17]  }
0x24: {  	s9 =	rddreg [dreg:$0x15]  }
0x25: {  	s10 =	rddreg [dreg:$0x13]  }
0x26: {  	s11 =	rddreg [dreg:$0x11]  }
0x27: {  	s12 =	rddreg [dreg:$0xf]  }
0x28: {  	s13 =	rddreg [dreg:$0xd]  }
0x29: {  	s6 =	simm.s32 $0x80;
	s14 =	rddreg [dreg:$0xb]  }
0x2a: {  	s5 =	sadd.s32 $0x1C00, s4;
	s15 =	rddreg [dreg:$0x6];
	[sflag:s3] =	ssyncset.done $0x0  }
0x2b: {  	s4 =	simm.s32 $0xC80;
	s16 =	rddreg [dreg:$0x5];
	[sflag:s3] =	ssyncadd.s32 $0xFFFFF380  }
0x2c: {  	[tilespmem:s4], [sflag:$0x1] =	stream.indirect.gather [hbm4b:s5+s6], $0x10, s2, s6, $0xb8;
	[tilespmem:$0xD480] =	vst v63  }
0x2d: {  	s17 =	rddreg [dreg:$0x7]  }
0x2e: {  	[tilespmem:s16], [sflag:$0x1] =	stream.indirect.gather [hbm4b:s5+s6], $0x10, s6, s6, $0xb8;
	[tilespmem:$0xD480] =	vst v63  }
0x2f: {  	s18 =	rddreg [dreg:$0x9]  }
0x30: {  	[tilespmem:s17], [sflag:$0x1] =	stream.indirect.gather [hbm4b:s5+s6], $0x10, s15, s6, $0xb8;
	[tilespmem:$0xD480] =	vst v63  }
0x31: {  	s24 =	rddreg [dreg:$0x8]  }
0x32: {  	[tilespmem:s18], [sflag:$0x1] =	stream.indirect.gather [hbm4b:s5+s6], $0x10, s24, s6, $0xb8;
	[tilespmem:$0xD480] =	vst v63  }
0x33: {  	s25 =	rddreg [dreg:$0xa]  }
0x34: {  	[tilespmem:s14], [sflag:$0x1] =	stream.indirect.gather [hbm4b:s5+s6], $0x10, s25, s6, $0xb8;
	[tilespmem:$0xD480] =	vst v63  }
0x35: {  	s26 =	rddreg [dreg:$0xc]  }
0x36: {  	[tilespmem:s13], [sflag:$0x1] =	stream.indirect.gather [hbm4b:s5+s6], $0x10, s26, s6, $0xb8;
	[tilespmem:$0xD480] =	vst v63  }
0x37: {  	s15 =	rddreg [dreg:$0xe]  }
0x38: {  	[tilespmem:s12], [sflag:$0x1] =	stream.indirect.gather [hbm4b:s5+s6], $0x10, s15, s6, $0xb8;
	[tilespmem:$0xD480] =	vst v63  }
0x39: {  	s17 =	rddreg [dreg:$0x10]  }
0x3a: {  	[tilespmem:s11], [sflag:$0x1] =	stream.indirect.gather [hbm4b:s5+s6], $0x10, s17, s6, $0xb8;
	[tilespmem:$0xD480] =	vst v63  }
0x3b: {  	s18 =	rddreg [dreg:$0x12]  }
0x3c: {  	[tilespmem:s10], [sflag:$0x1] =	stream.indirect.gather [hbm4b:s5+s6], $0x10, s18, s6, $0xb8;
	[tilespmem:$0xD480] =	vst v63  }
0x3d: {  	s19 =	rddreg [dreg:$0x14]  }
0x3e: {  	[tilespmem:s9], [sflag:$0x1] =	stream.indirect.gather [hbm4b:s5+s6], $0x10, s19, s6, $0xb8;
	[tilespmem:$0xD480] =	vst v63  }
0x3f: {  	s20 =	rddreg [dreg:$0x16]  }
0x40: {  	[tilespmem:s8], [sflag:$0x1] =	stream.indirect.gather [hbm4b:s5+s6], $0x10, s20, s6, $0xb8;
	[tilespmem:$0xD480] =	vst v63  }
0x41: {  	s21 =	rddreg [dreg:$0x18]  }
0x42: {  	[tilespmem:s7], [sflag:$0x1] =	stream.indirect.gather [hbm4b:s5+s6], $0x10, s21, s6, $0xb8;
	[tilespmem:$0xD480] =	vst v63  }
0x43: {  	s22 =	rddreg [dreg:$0x1a]  }
0x44: {  	[tilespmem:s0], [sflag:$0x1] =	stream.indirect.gather [hbm4b:s5+s6], $0x10, s22, s6, $0xb8;
	[tilespmem:$0xD480] =	vst v63  }
0x45: {  	s23 =	rddreg [dreg:$0x1c];
	s24 =	simm.s32 $0x7480  }
0x46: {  	[tilespmem:s24], [sflag:$0x1] =	stream.indirect.gather [hbm4b:s5+s6], $0x10, s23, s6, $0xb8;
	[tilespmem:$0xD480] =	vst v63  }
0x47: {  	s25 =	simm.s32 $0x700;
	s26 =	simm.s32 $0x7C80  }
0x48: {  	[tilespmem:s26], [sflag:$0x1] =	stream.indirect.gather [hbm4b:s5+s6], $0x10, s25, s6, $0xb8;
	[tilespmem:$0xD480] =	vst v63  }
0x49: {  	s9 =	simm.s32 $0x8480;
	s8 =	simm.s32 $0x780  }
0x4a: {  	[tilespmem:s9], [sflag:$0x1] =	stream.indirect.gather [hbm4b:s5+s6], $0x10, s8, s6, $0xb8;
	[tilespmem:$0xD480] =	vst v63  }
0x4b: {  	s11 =	simm.s32 $0x8C80;
	s10 =	simm.s32 $0x800  }
0x4c: {  	[tilespmem:s11], [sflag:$0x1] =	stream.indirect.gather [hbm4b:s5+s6], $0x10, s10, s6, $0xb8;
	[tilespmem:$0xD480] =	vst v63  }
0x4d: {  	s13 =	simm.s32 $0x9480;
	s12 =	simm.s32 $0x880  }
0x4e: {  	[tilespmem:s13], [sflag:$0x1] =	stream.indirect.gather [hbm4b:s5+s6], $0x10, s12, s6, $0xb8;
	[tilespmem:$0xD480] =	vst v63  }
0x4f: {  	s14 =	simm.s32 $0x900;
	s15 =	simm.s32 $0x9C80  }
0x50: {  	[tilespmem:s15], [sflag:$0x1] =	stream.indirect.gather [hbm4b:s5+s6], $0x10, s14, s6, $0xb8;
	[tilespmem:$0xD480] =	vst v63  }
0x51: {  	s16 =	simm.s32 $0x980;
	s17 =	simm.s32 $0xA480  }
0x52: {  	[tilespmem:s17], [sflag:$0x1] =	stream.indirect.gather [hbm4b:s5+s6], $0x10, s16, s6, $0xb8;
	[tilespmem:$0xD480] =	vst v63  }
0x53: {  	s20 =	simm.s32 $0xA00;
	s21 =	simm.s32 $0xAC80  }
0x54: {  	[tilespmem:s21], [sflag:$0x1] =	stream.indirect.gather [hbm4b:s5+s6], $0x10, s20, s6, $0xb8;
	[tilespmem:$0xD480] =	vst v63  }
0x55: {  	s22 =	simm.s32 $0xA80;
	s23 =	simm.s32 $0xB480  }
0x56: {  	[tilespmem:s23], [sflag:$0x1] =	stream.indirect.gather [hbm4b:s5+s6], $0x10, s22, s6, $0xb8;
	[tilespmem:$0xD480] =	vst v63  }
0x57: {  	s24 =	simm.s32 $0xB00;
	s26 =	simm.s32 $0xBC80  }
0x58: {  	[tilespmem:s26], [sflag:$0x1] =	stream.indirect.gather [hbm4b:s5+s6], $0x10, s24, s6, $0xb8;
	[tilespmem:$0xD480] =	vst v63  }
0x59: {  	s28 =	simm.s32 $0xB80;
	s29 =	simm.s32 $0xC480  }
0x5a: {  	[tilespmem:s29], [sflag:$0x1] =	stream.indirect.gather [hbm4b:s5+s6], $0x10, s28, s6, $0xb8;
	[tilespmem:$0xD480] =	vst v63  }
0x5b: {  	s30 =	simm.s32 $0xC00;
	s31 =	simm.s32 $0xCC80;
	s25 =	simm.s32 $0x1  }
0x5c: {  	[tilespmem:s31], [sflag:$0x1] =	stream.indirect.gather [hbm4b:s5+s6], $0x10, s30, s6, $0xb8;
	[tilespmem:$0xD480] =	vst v63  }
0x5d: {  	_ =	swait.ge [sflag:s25], $0x800  }
0x5e: {  	[sflag:s25] =	ssyncset.done $0x0  }
0x5f: {  	[sflag:s25] =	ssyncadd.s32 $0xFFFFF800  }
0x60: {  	_ =	swait.ge [sflag:s25], $0x800  }
0x61: {  	[sflag:s25] =	ssyncset.done $0x0  }
0x62: {  	[sflag:s25] =	ssyncadd.s32 $0xFFFFF800  }
0x63: {  	_ =	swait.ge [sflag:s25], $0x800  }
0x64: {  	[sflag:s25] =	ssyncset.done $0x0  }
0x65: {  	[sflag:s25] =	ssyncadd.s32 $0xFFFFF800  }
0x66: {  	_ =	swait.ge [sflag:s25], $0x800  }
0x67: {  	[sflag:s25] =	ssyncset.done $0x0  }
0x68: {  	[sflag:s25] =	ssyncadd.s32 $0xFFFFF800  }
0x69: {  	_ =	swait.ge [sflag:s25], $0x800  }
0x6a: {  	[sflag:s25] =	ssyncset.done $0x0  }
0x6b: {  	[sflag:s25] =	ssyncadd.s32 $0xFFFFF800  }
0x6c: {  	_ =	swait.ge [sflag:s25], $0x800  }
0x6d: {  	[sflag:s25] =	ssyncset.done $0x0  }
0x6e: {  	[sflag:s25] =	ssyncadd.s32 $0xFFFFF800  }
0x6f: {  	_ =	swait.ge [sflag:s25], $0x800  }
0x70: {  	[sflag:s25] =	ssyncset.done $0x0  }
0x71: {  	[sflag:s25] =	ssyncadd.s32 $0xFFFFF800  }
0x72: {  	_ =	swait.ge [sflag:s25], $0x800  }
0x73: {  	[sflag:s25] =	ssyncset.done $0x0  }
0x74: {  	[sflag:s25] =	ssyncadd.s32 $0xFFFFF800  }
0x75: {  	_ =	swait.ge [sflag:s25], $0x800  }
0x76: {  	[sflag:s25] =	ssyncset.done $0x0  }
0x77: {  	[sflag:s25] =	ssyncadd.s32 $0xFFFFF800  }
0x78: {  	_ =	swait.ge [sflag:s25], $0x800  }
0x79: {  	[sflag:s25] =	ssyncset.done $0x0  }
0x7a: {  	[sflag:s25] =	ssyncadd.s32 $0xFFFFF800  }
0x7b: {  	_ =	swait.ge [sflag:s25], $0x800  }
0x7c: {  	[sflag:s25] =	ssyncset.done $0x0  }
0x7d: {  	[sflag:s25] =	ssyncadd.s32 $0xFFFFF800  }
0x7e: {  	_ =	swait.ge [sflag:s25], $0x800  }
0x7f: {  	[sflag:s25] =	ssyncset.done $0x0  }
0x80: {  	[sflag:s25] =	ssyncadd.s32 $0xFFFFF800  }
0x81: {  	_ =	swait.ge [sflag:s25], $0x800  }
0x82: {  	[sflag:s25] =	ssyncset.done $0x0  }
0x83: {  	[sflag:s25] =	ssyncadd.s32 $0xFFFFF800  }
0x84: {  	_ =	swait.ge [sflag:s25], $0x800  }
0x85: {  	[sflag:s25] =	ssyncset.done $0x0  }
0x86: {  	[sflag:s25] =	ssyncadd.s32 $0xFFFFF800  }
0x87: {  	_ =	swait.ge [sflag:s25], $0x800  }
0x88: {  	[sflag:s25] =	ssyncset.done $0x0  }
0x89: {  	[sflag:s25] =	ssyncadd.s32 $0xFFFFF800  }
0x8a: {  	_ =	swait.ge [sflag:s25], $0x800  }
0x8b: {  	[sflag:s25] =	ssyncset.done $0x0  }
0x8c: {  	[sflag:s25] =	ssyncadd.s32 $0xFFFFF800  }
0x8d: {  	_ =	swait.ge [sflag:s25], $0x800  }
0x8e: {  	[sflag:s25] =	ssyncset.done $0x0  }
0x8f: {  	[sflag:s25] =	ssyncadd.s32 $0xFFFFF800  }
0x90: {  	_ =	swait.ge [sflag:s25], $0x800  }
0x91: {  	[sflag:s25] =	ssyncset.done $0x0  }
0x92: {  	[sflag:s25] =	ssyncadd.s32 $0xFFFFF800  }
0x93: {  	_ =	swait.ge [sflag:s25], $0x800  }
0x94: {  	[sflag:s25] =	ssyncset.done $0x0  }
0x95: {  	[sflag:s25] =	ssyncadd.s32 $0xFFFFF800  }
0x96: {  	_ =	swait.ge [sflag:s25], $0x800  }
0x97: {  	s18 =	ssub.s32 $0x2, s1;
	[sflag:s25] =	ssyncset.done $0x0  }
0x98: {  	s1 =	sshrl.u32 s18, $0x1;
	[sflag:s25] =	ssyncadd.s32 $0xFFFFF800  }
0x99: {  	s0 =	ssub.s32 s18, s1;
	_ =	swait.ge [sflag:s25], $0x800  }
0x9a: {  	s0 =	smax.u32 s0, $0x1;
	[sflag:s25] =	ssyncset.done $0x0  }
0x9b: {  	p0 =	sne.s32 s0, $0x1;
	[sflag:s25] =	ssyncadd.s32 $0xFFFFF800  }
.Ltmp0:
0x9c: {  	_ =	swait.ge [sflag:s25], $0x800;
	(pc) =	sbr.rel @!p0 .LBB2_2-.Ltmp0, $4  }
0x9d: {  	[sflag:s25] =	ssyncset.done $0x0  }
0x9e: {  	[sflag:s25] =	ssyncadd.s32 $0xFFFFF800  }
0x9f: {  	_ =	swait.ge [sflag:s25], $0x800  }
0xa0: {  	s19 =	simm.s32 $0xA480;
	s1 =	sadd.s32 $0xFFFFFFFF, s0;
	[sflag:s25] =	ssyncset.done $0x0  }
.LBB2_1:
0xa1: {  	[sflag:s25] =	ssyncadd.s32 $0xFFFFF800  }
0xa2: {  	_ =	swait.ge [sflag:s25], $0x800  }
0xa3: {  	[sflag:s25] =	ssyncset.done $0x0  }
0xa4: {  	[sflag:s25] =	ssyncadd.s32 $0xFFFFF800  }
0xa5: {  	_ =	swait.ge [sflag:s25], $0x800  }
0xa6: {  	[sflag:s25] =	ssyncset.done $0x0  }
0xa7: {  	s0 =	rddreg [dreg:$0x4];
	[sflag:s25] =	ssyncadd.s32 $0xFFFFF800  }
0xa8: {  	[hbm4b:s0+s2] =	stream.linear.scatter [tilespmem:s4], [sflag:$0x2], $0xC800, $0x38;
	[tilespmem:$0xD480] =	vst v63  }
0xa9: {  	_ =	swait.ge [sflag:s3], $0xC800  }
0xaa: {  	[sflag:s3] =	ssyncset.done $0x0  }
0xab: {  	s16 =	rddreg [dreg:$0x3];
	[sflag:s3] =	ssyncadd.s32 $0xFFFF3800  }
0xac: {  	[tilespmem:s2], [sflag:$0x2] =	stream.linear.gather [hbm4b:s16+s2], $0xC80, $0x38;
	[tilespmem:$0xD480] =	vst v63  }
0xad: {  	_ =	swait.ge [sflag:s3], $0xC80  }
0xae: {  	s0 =	rddreg [dreg:$0x1b]  }
0xaf: {  	s7 =	rddreg [dreg:$0x19]  }
0xb0: {  	s8 =	rddreg [dreg:$0x17]  }
0xb1: {  	s9 =	rddreg [dreg:$0x15]  }
0xb2: {  	s10 =	rddreg [dreg:$0x13]  }
0xb3: {  	s11 =	rddreg [dreg:$0x11]  }
0xb4: {  	s12 =	rddreg [dreg:$0xf]  }
0xb5: {  	s13 =	rddreg [dreg:$0xd]  }
0xb6: {  	s14 =	rddreg [dreg:$0xb]  }
0xb7: {  	s15 =	rddreg [dreg:$0x6];
	[sflag:s3] =	ssyncset.done $0x0  }
0xb8: {  	s16 =	rddreg [dreg:$0x5];
	[sflag:s3] =	ssyncadd.s32 $0xFFFFF380  }
0xb9: {  	[tilespmem:s4], [sflag:$0x1] =	stream.indirect.gather [hbm4b:s5+s6], $0x10, s2, s6, $0xb8;
	[tilespmem:$0xD480] =	vst v63  }
0xba: {  	s17 =	rddreg [dreg:$0x7]  }
0xbb: {  	[tilespmem:s16], [sflag:$0x1] =	stream.indirect.gather [hbm4b:s5+s6], $0x10, s6, s6, $0xb8;
	[tilespmem:$0xD480] =	vst v63  }
0xbc: {  	s18 =	rddreg [dreg:$0x9]  }
0xbd: {  	[tilespmem:s17], [sflag:$0x1] =	stream.indirect.gather [hbm4b:s5+s6], $0x10, s15, s6, $0xb8;
	[tilespmem:$0xD480] =	vst v63  }
0xbe: {  	s16 =	rddreg [dreg:$0x8]  }
0xbf: {  	[tilespmem:s18], [sflag:$0x1] =	stream.indirect.gather [hbm4b:s5+s6], $0x10, s16, s6, $0xb8;
	[tilespmem:$0xD480] =	vst v63  }
0xc0: {  	s17 =	rddreg [dreg:$0xa]  }
0xc1: {  	[tilespmem:s14], [sflag:$0x1] =	stream.indirect.gather [hbm4b:s5+s6], $0x10, s17, s6, $0xb8;
	[tilespmem:$0xD480] =	vst v63  }
0xc2: {  	s18 =	rddreg [dreg:$0xc]  }
0xc3: {  	[tilespmem:s13], [sflag:$0x1] =	stream.indirect.gather [hbm4b:s5+s6], $0x10, s18, s6, $0xb8;
	[tilespmem:$0xD480] =	vst v63  }
0xc4: {  	s15 =	rddreg [dreg:$0xe]  }
0xc5: {  	[tilespmem:s12], [sflag:$0x1] =	stream.indirect.gather [hbm4b:s5+s6], $0x10, s15, s6, $0xb8;
	[tilespmem:$0xD480] =	vst v63  }
0xc6: {  	s17 =	rddreg [dreg:$0x10]  }
0xc7: {  	[tilespmem:s11], [sflag:$0x1] =	stream.indirect.gather [hbm4b:s5+s6], $0x10, s17, s6, $0xb8;
	[tilespmem:$0xD480] =	vst v63  }
0xc8: {  	s18 =	rddreg [dreg:$0x12]  }
0xc9: {  	[tilespmem:s10], [sflag:$0x1] =	stream.indirect.gather [hbm4b:s5+s6], $0x10, s18, s6, $0xb8;
	[tilespmem:$0xD480] =	vst v63  }
0xca: {  	s13 =	rddreg [dreg:$0x14]  }
0xcb: {  	[tilespmem:s9], [sflag:$0x1] =	stream.indirect.gather [hbm4b:s5+s6], $0x10, s13, s6, $0xb8;
	[tilespmem:$0xD480] =	vst v63  }
0xcc: {  	s14 =	rddreg [dreg:$0x16]  }
0xcd: {  	[tilespmem:s8], [sflag:$0x1] =	stream.indirect.gather [hbm4b:s5+s6], $0x10, s14, s6, $0xb8;
	[tilespmem:$0xD480] =	vst v63  }
0xce: {  	s15 =	rddreg [dreg:$0x18]  }
0xcf: {  	[tilespmem:s7], [sflag:$0x1] =	stream.indirect.gather [hbm4b:s5+s6], $0x10, s15, s6, $0xb8;
	[tilespmem:$0xD480] =	vst v63  }
0xd0: {  	s16 =	rddreg [dreg:$0x1a]  }
0xd1: {  	[tilespmem:s0], [sflag:$0x1] =	stream.indirect.gather [hbm4b:s5+s6], $0x10, s16, s6, $0xb8;
	[tilespmem:$0xD480] =	vst v63  }
0xd2: {  	s17 =	rddreg [dreg:$0x1c];
	s18 =	simm.s32 $0x7480  }
0xd3: {  	[tilespmem:s18], [sflag:$0x1] =	stream.indirect.gather [hbm4b:s5+s6], $0x10, s17, s6, $0xb8;
	[tilespmem:$0xD480] =	vst v63  }
0xd4: {  	s9 =	simm.s32 $0x7C80;
	s8 =	simm.s32 $0x700  }
0xd5: {  	[tilespmem:s9], [sflag:$0x1] =	stream.indirect.gather [hbm4b:s5+s6], $0x10, s8, s6, $0xb8;
	[tilespmem:$0xD480] =	vst v63  }
0xd6: {  	s11 =	simm.s32 $0x8480;
	s10 =	simm.s32 $0x780  }
0xd7: {  	[tilespmem:s11], [sflag:$0x1] =	stream.indirect.gather [hbm4b:s5+s6], $0x10, s10, s6, $0xb8;
	[tilespmem:$0xD480] =	vst v63  }
0xd8: {  	s12 =	simm.s32 $0x800;
	s13 =	simm.s32 $0x8C80  }
0xd9: {  	[tilespmem:s13], [sflag:$0x1] =	stream.indirect.gather [hbm4b:s5+s6], $0x10, s12, s6, $0xb8;
	[tilespmem:$0xD480] =	vst v63  }
0xda: {  	s14 =	simm.s32 $0x880;
	s15 =	simm.s32 $0x9480  }
0xdb: {  	[tilespmem:s15], [sflag:$0x1] =	stream.indirect.gather [hbm4b:s5+s6], $0x10, s14, s6, $0xb8;
	[tilespmem:$0xD480] =	vst v63  }
0xdc: {  	s16 =	simm.s32 $0x900;
	s17 =	simm.s32 $0x9C80  }
0xdd: {  	[tilespmem:s17], [sflag:$0x1] =	stream.indirect.gather [hbm4b:s5+s6], $0x10, s16, s6, $0xb8;
	[tilespmem:$0xD480] =	vst v63  }
0xde: {  	s18 =	simm.s32 $0x980  }
0xdf: {  	[tilespmem:s19], [sflag:$0x1] =	stream.indirect.gather [hbm4b:s5+s6], $0x10, s18, s6, $0xb8;
	[tilespmem:$0xD480] =	vst v63  }
0xe0: {  	_ = 	snop  }
0xe1: {  	[tilespmem:s21], [sflag:$0x1] =	stream.indirect.gather [hbm4b:s5+s6], $0x10, s20, s6, $0xb8;
	[tilespmem:$0xD480] =	vst v63  }
0xe2: {  	_ = 	snop  }
0xe3: {  	[tilespmem:s23], [sflag:$0x1] =	stream.indirect.gather [hbm4b:s5+s6], $0x10, s22, s6, $0xb8;
	[tilespmem:$0xD480] =	vst v63  }
0xe4: {  	_ = 	snop  }
0xe5: {  	[tilespmem:s26], [sflag:$0x1] =	stream.indirect.gather [hbm4b:s5+s6], $0x10, s24, s6, $0xb8;
	[tilespmem:$0xD480] =	vst v63  }
0xe6: {  	_ = 	snop  }
0xe7: {  	[tilespmem:s29], [sflag:$0x1] =	stream.indirect.gather [hbm4b:s5+s6], $0x10, s28, s6, $0xb8;
	[tilespmem:$0xD480] =	vst v63  }
0xe8: {  	_ = 	snop  }
0xe9: {  	[tilespmem:s31], [sflag:$0x1] =	stream.indirect.gather [hbm4b:s5+s6], $0x10, s30, s6, $0xb8;
	[tilespmem:$0xD480] =	vst v63  }
0xea: {  	_ =	swait.ge [sflag:s25], $0x800  }
0xeb: {  	[sflag:s25] =	ssyncset.done $0x0  }
0xec: {  	[sflag:s25] =	ssyncadd.s32 $0xFFFFF800  }
0xed: {  	_ =	swait.ge [sflag:s25], $0x800  }
0xee: {  	[sflag:s25] =	ssyncset.done $0x0  }
0xef: {  	[sflag:s25] =	ssyncadd.s32 $0xFFFFF800  }
0xf0: {  	_ =	swait.ge [sflag:s25], $0x800  }
0xf1: {  	[sflag:s25] =	ssyncset.done $0x0  }
0xf2: {  	[sflag:s25] =	ssyncadd.s32 $0xFFFFF800  }
0xf3: {  	_ =	swait.ge [sflag:s25], $0x800  }
0xf4: {  	[sflag:s25] =	ssyncset.done $0x0  }
0xf5: {  	[sflag:s25] =	ssyncadd.s32 $0xFFFFF800  }
0xf6: {  	_ =	swait.ge [sflag:s25], $0x800  }
0xf7: {  	[sflag:s25] =	ssyncset.done $0x0  }
0xf8: {  	[sflag:s25] =	ssyncadd.s32 $0xFFFFF800  }
0xf9: {  	_ =	swait.ge [sflag:s25], $0x800  }
0xfa: {  	[sflag:s25] =	ssyncset.done $0x0  }
0xfb: {  	[sflag:s25] =	ssyncadd.s32 $0xFFFFF800  }
0xfc: {  	_ =	swait.ge [sflag:s25], $0x800  }
0xfd: {  	[sflag:s25] =	ssyncset.done $0x0  }
0xfe: {  	[sflag:s25] =	ssyncadd.s32 $0xFFFFF800  }
0xff: {  	_ =	swait.ge [sflag:s25], $0x800  }
0x100: {  	[sflag:s25] =	ssyncset.done $0x0  }
0x101: {  	[sflag:s25] =	ssyncadd.s32 $0xFFFFF800  }
0x102: {  	_ =	swait.ge [sflag:s25], $0x800  }
0x103: {  	[sflag:s25] =	ssyncset.done $0x0  }
0x104: {  	[sflag:s25] =	ssyncadd.s32 $0xFFFFF800  }
0x105: {  	_ =	swait.ge [sflag:s25], $0x800  }
0x106: {  	[sflag:s25] =	ssyncset.done $0x0  }
0x107: {  	[sflag:s25] =	ssyncadd.s32 $0xFFFFF800  }
0x108: {  	_ =	swait.ge [sflag:s25], $0x800  }
0x109: {  	[sflag:s25] =	ssyncset.done $0x0  }
0x10a: {  	[sflag:s25] =	ssyncadd.s32 $0xFFFFF800  }
0x10b: {  	_ =	swait.ge [sflag:s25], $0x800  }
0x10c: {  	[sflag:s25] =	ssyncset.done $0x0  }
0x10d: {  	[sflag:s25] =	ssyncadd.s32 $0xFFFFF800  }
0x10e: {  	_ =	swait.ge [sflag:s25], $0x800  }
0x10f: {  	[sflag:s25] =	ssyncset.done $0x0  }
0x110: {  	[sflag:s25] =	ssyncadd.s32 $0xFFFFF800  }
0x111: {  	_ =	swait.ge [sflag:s25], $0x800  }
0x112: {  	[sflag:s25] =	ssyncset.done $0x0  }
0x113: {  	[sflag:s25] =	ssyncadd.s32 $0xFFFFF800  }
0x114: {  	_ =	swait.ge [sflag:s25], $0x800  }
0x115: {  	[sflag:s25] =	ssyncset.done $0x0  }
0x116: {  	[sflag:s25] =	ssyncadd.s32 $0xFFFFF800  }
0x117: {  	_ =	swait.ge [sflag:s25], $0x800  }
0x118: {  	[sflag:s25] =	ssyncset.done $0x0  }
0x119: {  	[sflag:s25] =	ssyncadd.s32 $0xFFFFF800  }
0x11a: {  	_ =	swait.ge [sflag:s25], $0x800  }
0x11b: {  	[sflag:s25] =	ssyncset.done $0x0  }
0x11c: {  	[sflag:s25] =	ssyncadd.s32 $0xFFFFF800  }
0x11d: {  	_ =	swait.ge [sflag:s25], $0x800  }
0x11e: {  	[sflag:s25] =	ssyncset.done $0x0  }
0x11f: {  	[sflag:s25] =	ssyncadd.s32 $0xFFFFF800  }
0x120: {  	_ =	swait.ge [sflag:s25], $0x800  }
0x121: {  	[sflag:s25] =	ssyncset.done $0x0  }
0x122: {  	[sflag:s25] =	ssyncadd.s32 $0xFFFFF800  }
0x123: {  	_ =	swait.ge [sflag:s25], $0x800  }
0x124: {  	[sflag:s25] =	ssyncset.done $0x0  }
0x125: {  	[sflag:s25] =	ssyncadd.s32 $0xFFFFF800  }
0x126: {  	_ =	swait.ge [sflag:s25], $0x800  }
0x127: {  	[sflag:s25] =	ssyncset.done $0x0  }
0x128: {  	p0 =	sne.s32 s1, $0x1;
	[sflag:s25] =	ssyncadd.s32 $0xFFFFF800  }
.Ltmp1:
0x129: {  	_ =	swait.ge [sflag:s25], $0x800;
	(pc) =	sbr.rel @p0 .LBB2_1-.Ltmp1, $4  }
0x12a: {  	[sflag:s25] =	ssyncset.done $0x0  }
0x12b: {  	[sflag:s25] =	ssyncadd.s32 $0xFFFFF800  }
0x12c: {  	_ =	swait.ge [sflag:s25], $0x800  }
0x12d: {  	s1 =	sadd.s32 $0xFFFFFFFF, s1;
	[sflag:s25] =	ssyncset.done $0x0  }
.LBB2_2:
0x12e: {  	[sflag:s25] =	ssyncadd.s32 $0xFFFFF800  }
0x12f: {  	_ =	swait.ge [sflag:s25], $0x800  }
0x130: {  	[sflag:s25] =	ssyncset.done $0x0  }
0x131: {  	[sflag:s25] =	ssyncadd.s32 $0xFFFFF800  }
0x132: {  	_ =	swait.ge [sflag:s25], $0x800  }
0x133: {  	[sflag:s25] =	ssyncset.done $0x0  }
0x134: {  	s0 =	rddreg [dreg:$0x4];
	[sflag:s25] =	ssyncadd.s32 $0xFFFFF800  }
0x135: {  	[hbm4b:s0+s2] =	stream.linear.scatter [tilespmem:s4], [sflag:$0x2], $0xC800, $0x38;
	[tilespmem:$0xD480] =	vst v63  }
0x136: {  	_ =	swait.ge [sflag:s3], $0xC800  }
0x137: {  	[sflag:s3] =	ssyncset.done $0x0  }
0x138: {  	[sflag:s3] =	ssyncadd.s32 $0xFFFF3800  }
0x139: {  	_ =	sfence.sel $0x180000  }
0x13a: {  	[bflag:$0x0] =	sbarrier.arrive $0xFFFF  }
0x13b: {  	_ =	strace $0x90000047  }
0x13c: {  	s31 =	stileid.u32;
	[bflag:$0x2] =	sbarrier.arrive $0xFFFF  }
0x13d: {  	p0 =	sne.s32 s31, $0x0;
	s0 =	rddreg [dreg:$0x2]  }
0x13e: {  	s0 =	sadd.s32 @!p0 $0x100000, s0  }
0x13f: {  	[sflag:s0] =	ssyncadd.tile.s32 @!p0 $0x1;
	_ =	shalt  }
.Lfunc_end2:
_tile_overlayer_lowered:
.L_overlay_start_2:
0x140: {  	(tag) =	ssettag $0x2  }
0x141: {  	s0 =	rddreg [dreg:$0x0];
	s2 =	stileid.u32  }
0x142: {  	s1 =	rddreg [dreg:$0x1];
	p0 =	sne.s32 s2, $0x0  }
0x143: {  	s3 =	rddreg [dreg:$0x2];
	[bflag:$0x3] =	sbarrier.arrive $0xFFFF;
	s2 =	simm.s32 @!p0 $0x1C02  }
0x144: {  	[timem:s3], [sflag:s2] =	dma.local @!p0 [hbm:s0], s1  }
0x145: {  	s0 =	simm.s32 @!p0 $0x2  }
0x146: {  	_ =	swait.ge @!p0 [sflag:s0], s1  }
0x147: {  	s1 =	ssub.s32 @!p0 $0x0, s1;
	[sflag:s0] =	ssyncset.done @!p0 $0x0  }
0x148: {  	[sflag:s0] =	ssyncadd.s32 @!p0 s1  }
0x149: {  	[bflag:$0x3] =	sbarrier.arrive $0xFFFF  }
0x14a: {  	_ =	shalt  }

</sc_bundles>
